<compile_context>
chip_gen: v7x
topology: tpu7x:2x2x1
jax: 0.10.2.dev20260603
libtpu: 0.0.44.dev20260713+nightly
codegen_flags: <defaults>
</compile_context>

<pallas_src>
import functools

import jax
import jax.numpy as jnp
from jax import lax
from jax.experimental import pallas as pl
from jax.experimental.pallas import tpu as pltpu
from jax.experimental.pallas import tpu_sc as plsc

_INFO = plsc.get_sparse_core_info()
_NC = _INFO.num_cores
_NS = _INFO.num_subcores
_NW = _NC * _NS


@functools.lru_cache(maxsize=None)
def _make_gather(B, S, V, D):
    N = B * S
    assert N % _NW == 0
    b_per_w = N // _NW
    assert S % b_per_w == 0
    w_per_row = S // b_per_w
    chunk = min(b_per_w, 32)
    assert b_per_w % chunk == 0
    n_chunks = b_per_w // chunk
    nbuf = min(n_chunks, 5)

    mesh = plsc.VectorSubcoreMesh(core_axis_name="c", subcore_axis_name="s")

    @functools.partial(
        pl.kernel,
        mesh=mesh,
        out_type=jax.ShapeDtypeStruct((B, S, D), jnp.float32),
        scratch_types=(
            [pltpu.VMEM((b_per_w,), jnp.int32)]
            + [pltpu.VMEM((chunk, D), jnp.float32) for _ in range(nbuf)]
            + [pltpu.SemaphoreType.DMA for _ in range(2 * nbuf)]
        ),
    )
    def gather(table_hbm, idx_hbm, out_hbm, idx_v, *bufs_and_sems):
        rows = bufs_and_sems[:nbuf]
        isems = bufs_and_sems[nbuf:2 * nbuf]
        osems = bufs_and_sems[2 * nbuf:]
        wid = lax.axis_index("s") * _NC + lax.axis_index("c")
        row = wid // w_per_row
        col = (wid % w_per_row) * b_per_w
        pltpu.sync_copy(idx_hbm.at[row, pl.ds(col, b_per_w)], idx_v)

        def start_gather(g):
            b = g % nbuf
            return pltpu.async_copy(
                table_hbm.at[idx_v.at[pl.ds(g * chunk, chunk)]],
                rows[b], isems[b])

        in_cp = [None] * n_chunks
        out_cp = [None] * n_chunks
        for g in range(min(nbuf - 1, n_chunks)):
            in_cp[g] = start_gather(g)
        for g in range(n_chunks):
            b = g % nbuf
            ng = g + nbuf - 1
            if ng < n_chunks:
                if g >= 1:
                    out_cp[g - 1].wait()
                in_cp[ng] = start_gather(ng)
            in_cp[g].wait()
            out_cp[g] = pltpu.async_copy(
                rows[b], out_hbm.at[row, pl.ds(col + g * chunk, chunk)],
                osems[b])
        for g in range(max(0, n_chunks - nbuf + 1), n_chunks):
            out_cp[g].wait()

    return gather


def kernel(sequence, token_table):
    B, S = sequence.shape
    V, D = token_table.shape
    idx = sequence.astype(jnp.int32)
    return _make_gather(B, S, V, D)(token_table, idx)

# --- scband reference (transcript-rebuilt; emitter-appended) ---
"""Pipeline reference for scband-gptembedding-54408645706050 (READ-ONLY COPY).

The authoritative reference and input builder live on the scoring server;
editing this copy changes nothing except your own understanding.
"""

import jax, jax.numpy as jnp
import numpy as np

VOCAB = 100000
D_MODEL = 768
BATCH = 4
SEQ = 2048

def setup_inputs(seed: int = 0) -> dict:
    key = jax.random.key(seed)
    k1, k2 = jax.random.split(key)
    sequence = jax.random.randint(k1, (BATCH, SEQ), 0, VOCAB, dtype=jnp.int64 if jax.config.jax_enable_x64 else jnp.int32)
    token_table = jax.random.normal(k2, (VOCAB, D_MODEL), dtype=jnp.float32) * 0.02
    return {"sequence": sequence, "token_table": token_table}

def reference(sequence, token_table):
    # GPTEmbedding.forward: pos is computed but never used; output = dropout(token_embed(sequence)).
    # Dropout is identity in eval mode.
    x = jnp.take(token_table, sequence, axis=0)  # [B, S, d_model] gather
    return x

if __name__ == "__main__":
    import jax
    _d = setup_inputs()
    print(jax.jit(kernel)(*tuple(_d.values())))

</pallas_src>

<mosaic_0001>
#map = affine_map<(d0, d1) -> (0, 0)>
#map1 = affine_map<(d0, d1) -> (0, 0, 0)>
module attributes {stable_mosaic.version = 14 : i64} {
  func.func @gather(%arg0: i32, %arg1: i32, %arg2: memref<100000x768xf32, #tpu.memory_space<hbm>>, %arg3: memref<4x2048xi32, #tpu.memory_space<hbm>>, %arg4: memref<4x2048x768xf32, #tpu.memory_space<hbm>>, %arg5: memref<256xi32, #tpu.memory_space<vmem>>, %arg6: memref<32x768xf32, #tpu.memory_space<vmem>>, %arg7: memref<32x768xf32, #tpu.memory_space<vmem>>, %arg8: memref<32x768xf32, #tpu.memory_space<vmem>>, %arg9: memref<32x768xf32, #tpu.memory_space<vmem>>, %arg10: memref<32x768xf32, #tpu.memory_space<vmem>>, %arg11: memref<!tpu.dma_semaphore, #tpu.memory_space<semaphore_mem>>, %arg12: memref<!tpu.dma_semaphore, #tpu.memory_space<semaphore_mem>>, %arg13: memref<!tpu.dma_semaphore, #tpu.memory_space<semaphore_mem>>, %arg14: memref<!tpu.dma_semaphore, #tpu.memory_space<semaphore_mem>>, %arg15: memref<!tpu.dma_semaphore, #tpu.memory_space<semaphore_mem>>, %arg16: memref<!tpu.dma_semaphore, #tpu.memory_space<semaphore_mem>>, %arg17: memref<!tpu.dma_semaphore, #tpu.memory_space<semaphore_mem>>, %arg18: memref<!tpu.dma_semaphore, #tpu.memory_space<semaphore_mem>>, %arg19: memref<!tpu.dma_semaphore, #tpu.memory_space<semaphore_mem>>, %arg20: memref<!tpu.dma_semaphore, #tpu.memory_space<semaphore_mem>>) attributes {dimension_semantics = [#tpu.dimension_semantics<core_parallel>, #tpu.dimension_semantics<subcore_parallel>], iteration_bounds = array<i64: 2, 16>, scalar_prefetch = 0 : i64, scratch_operands = 16 : i64, tpu.core_type = #tpu.core_type<sc_vector_subcore>, window_params = [{transform_indices = #map}, {transform_indices = #map}, {transform_indices = #map1}]} {
    %mul3A = arith.constant 2 : i32
    %mul3A_0 = arith.muli %arg1, %mul3A : i32
    %add3A = arith.addi %mul3A_0, %arg0 : i32
    %jit3A = arith.constant 8 : i32
    %div3A = arith.divsi %add3A, %jit3A : i32
    %sign3A = arith.constant 0 : i32
    %sign3A_1 = arith.cmpi sgt, %add3A, %sign3A : i32
    %sign3A_2 = arith.extui %sign3A_1 : i1 to i32
    %sign3A_3 = arith.constant 0 : i32
    %sign3A_4 = arith.cmpi slt, %add3A, %sign3A_3 : i32
    %sign3A_5 = arith.extui %sign3A_4 : i1 to i32
    %sign3A_6 = arith.subi %sign3A_2, %sign3A_5 : i32
    %sign3A_7 = arith.constant 0 : i32
    %sign3A_8 = arith.cmpi sgt, %jit3A, %sign3A_7 : i32
    %sign3A_9 = arith.extui %sign3A_8 : i1 to i32
    %sign3A_10 = arith.constant 0 : i32
    %sign3A_11 = arith.cmpi slt, %jit3A, %sign3A_10 : i32
    %sign3A_12 = arith.extui %sign3A_11 : i1 to i32
    %sign3A_13 = arith.subi %sign3A_9, %sign3A_12 : i32
    %ne3A = arith.cmpi ne, %sign3A_6, %sign3A_13 : i32
    %rem3A = arith.remsi %add3A, %jit3A : i32
    %ne3A_14 = arith.constant 0 : i32
    %ne3A_15 = arith.cmpi ne, %rem3A, %ne3A_14 : i32
    %and3A = arith.andi %ne3A, %ne3A_15 : i1
    %sub3A = arith.constant 1 : i32
    %sub3A_16 = arith.subi %div3A, %sub3A : i32
    %select_n3A = arith.select %and3A, %sub3A_16, %div3A : i32
    %jit3A_17 = arith.constant 8 : i32
    %eq3A = arith.constant 0 : i32
    %eq3A_18 = arith.cmpi eq, %jit3A_17, %eq3A : i32
    %jit3A_19 = arith.constant 1 : i32
    %select_n3A_20 = arith.select %eq3A_18, %jit3A_19, %jit3A_17 : i32
    %rem3A_21 = arith.remsi %add3A, %select_n3A_20 : i32
    %ne3A_22 = arith.constant 0 : i32
    %ne3A_23 = arith.cmpi ne, %rem3A_21, %ne3A_22 : i32
    %lt3A = arith.constant 0 : i32
    %lt3A_24 = arith.cmpi slt, %rem3A_21, %lt3A : i32
    %lt3A_25 = arith.constant 0 : i32
    %lt3A_26 = arith.cmpi slt, %select_n3A_20, %lt3A_25 : i32
    %ne3A_27 = arith.xori %lt3A_24, %lt3A_26 : i1
    %and3A_28 = arith.andi %ne3A_27, %ne3A_23 : i1
    %add3A_29 = arith.addi %rem3A_21, %select_n3A_20 : i32
    %select_n3A_30 = arith.select %and3A_28, %add3A_29, %rem3A_21 : i32
    %mul3A_31 = arith.constant 256 : i32
    %mul3A_32 = arith.muli %select_n3A_30, %mul3A_31 : i32
    "tpu.region"() ({
      %run_scoped3A = tpu.sem_alloc : memref<!tpu.dma_semaphore, #tpu.memory_space<semaphore_mem>>
      %dma_start3A_217 = tpu.memref_slice %arg3[%select_n3A, %mul3A_32] : memref<4x2048xi32, #tpu.memory_space<hbm>> -> memref<1x256xi32, #tpu.memory_space<hbm>>
      %dma_start3A_218 = tpu.memref_squeeze %dma_start3A_217 : memref<1x256xi32, #tpu.memory_space<hbm>> -> memref<256xi32, #tpu.memory_space<hbm>>
      %dma_start3A_219 = tpu.memref_slice %arg3[%select_n3A, %mul3A_32] : memref<4x2048xi32, #tpu.memory_space<hbm>> -> memref<1x256xi32, #tpu.memory_space<hbm>>
      %dma_start3A_220 = tpu.memref_squeeze %dma_start3A_219 : memref<1x256xi32, #tpu.memory_space<hbm>> -> memref<256xi32, #tpu.memory_space<hbm>>
      tpu.enqueue_dma source(%dma_start3A_220 : memref<256xi32, #tpu.memory_space<hbm>>) target(%arg5 : memref<256xi32, #tpu.memory_space<vmem>>) target_semaphore(%run_scoped3A : memref<!tpu.dma_semaphore, #tpu.memory_space<semaphore_mem>>)
      %dma_wait3A_221 = tpu.memref_slice %arg3[%select_n3A, %mul3A_32] : memref<4x2048xi32, #tpu.memory_space<hbm>> -> memref<1x256xi32, #tpu.memory_space<hbm>>
      %dma_wait3A_222 = tpu.memref_squeeze %dma_wait3A_221 : memref<1x256xi32, #tpu.memory_space<hbm>> -> memref<256xi32, #tpu.memory_space<hbm>>
      %dma_wait3A_223 = tpu.memref_slice %arg3[%select_n3A, %mul3A_32] : memref<4x2048xi32, #tpu.memory_space<hbm>> -> memref<1x256xi32, #tpu.memory_space<hbm>>
      %dma_wait3A_224 = tpu.memref_squeeze %dma_wait3A_223 : memref<1x256xi32, #tpu.memory_space<hbm>> -> memref<256xi32, #tpu.memory_space<hbm>>
      tpu.wait_dma2 semaphore(%run_scoped3A : memref<!tpu.dma_semaphore, #tpu.memory_space<semaphore_mem>>) src(%dma_wait3A_224 : memref<256xi32, #tpu.memory_space<hbm>>) dst(%arg5 : memref<256xi32, #tpu.memory_space<vmem>>)
      tpu.yield
    }) : () -> ()
    %dma_start3A = arith.constant 0 : i32
    %dma_start3A_33 = tpu.memref_slice %arg5[%dma_start3A] : memref<256xi32, #tpu.memory_space<vmem>> -> memref<32xi32, #tpu.memory_space<vmem>>
    %dma_start3A_34 = arith.constant 0 : i32
    %dma_start3A_35 = arith.constant 0 : i32
    %dma_start3A_36 = tpu.memref_slice %arg2[%dma_start3A_34, %dma_start3A_35] : memref<100000x768xf32, #tpu.memory_space<hbm>> -> memref<100000x768xf32, #tpu.memory_space<hbm>>
    tpu.enqueue_indirect_dma source(%dma_start3A_36 : memref<100000x768xf32, #tpu.memory_space<hbm>>) target(%arg6 : memref<32x768xf32, #tpu.memory_space<vmem>>) offsets(%dma_start3A_33 : memref<32xi32, #tpu.memory_space<vmem>>) semaphore(%arg11 : memref<!tpu.dma_semaphore, #tpu.memory_space<semaphore_mem>>)
    %dma_start3A_37 = arith.constant 32 : i32
    %dma_start3A_38 = tpu.memref_slice %arg5[%dma_start3A_37] : memref<256xi32, #tpu.memory_space<vmem>> -> memref<32xi32, #tpu.memory_space<vmem>>
    %dma_start3A_39 = arith.constant 0 : i32
    %dma_start3A_40 = arith.constant 0 : i32
    %dma_start3A_41 = tpu.memref_slice %arg2[%dma_start3A_39, %dma_start3A_40] : memref<100000x768xf32, #tpu.memory_space<hbm>> -> memref<100000x768xf32, #tpu.memory_space<hbm>>
    tpu.enqueue_indirect_dma source(%dma_start3A_41 : memref<100000x768xf32, #tpu.memory_space<hbm>>) target(%arg7 : memref<32x768xf32, #tpu.memory_space<vmem>>) offsets(%dma_start3A_38 : memref<32xi32, #tpu.memory_space<vmem>>) semaphore(%arg12 : memref<!tpu.dma_semaphore, #tpu.memory_space<semaphore_mem>>)
    %dma_start3A_42 = arith.constant 64 : i32
    %dma_start3A_43 = tpu.memref_slice %arg5[%dma_start3A_42] : memref<256xi32, #tpu.memory_space<vmem>> -> memref<32xi32, #tpu.memory_space<vmem>>
    %dma_start3A_44 = arith.constant 0 : i32
    %dma_start3A_45 = arith.constant 0 : i32
    %dma_start3A_46 = tpu.memref_slice %arg2[%dma_start3A_44, %dma_start3A_45] : memref<100000x768xf32, #tpu.memory_space<hbm>> -> memref<100000x768xf32, #tpu.memory_space<hbm>>
    tpu.enqueue_indirect_dma source(%dma_start3A_46 : memref<100000x768xf32, #tpu.memory_space<hbm>>) target(%arg8 : memref<32x768xf32, #tpu.memory_space<vmem>>) offsets(%dma_start3A_43 : memref<32xi32, #tpu.memory_space<vmem>>) semaphore(%arg13 : memref<!tpu.dma_semaphore, #tpu.memory_space<semaphore_mem>>)
    %dma_start3A_47 = arith.constant 96 : i32
    %dma_start3A_48 = tpu.memref_slice %arg5[%dma_start3A_47] : memref<256xi32, #tpu.memory_space<vmem>> -> memref<32xi32, #tpu.memory_space<vmem>>
    %dma_start3A_49 = arith.constant 0 : i32
    %dma_start3A_50 = arith.constant 0 : i32
    %dma_start3A_51 = tpu.memref_slice %arg2[%dma_start3A_49, %dma_start3A_50] : memref<100000x768xf32, #tpu.memory_space<hbm>> -> memref<100000x768xf32, #tpu.memory_space<hbm>>
    tpu.enqueue_indirect_dma source(%dma_start3A_51 : memref<100000x768xf32, #tpu.memory_space<hbm>>) target(%arg9 : memref<32x768xf32, #tpu.memory_space<vmem>>) offsets(%dma_start3A_48 : memref<32xi32, #tpu.memory_space<vmem>>) semaphore(%arg14 : memref<!tpu.dma_semaphore, #tpu.memory_space<semaphore_mem>>)
    %dma_start3A_52 = arith.constant 128 : i32
    %dma_start3A_53 = tpu.memref_slice %arg5[%dma_start3A_52] : memref<256xi32, #tpu.memory_space<vmem>> -> memref<32xi32, #tpu.memory_space<vmem>>
    %dma_start3A_54 = arith.constant 0 : i32
    %dma_start3A_55 = arith.constant 0 : i32
    %dma_start3A_56 = tpu.memref_slice %arg2[%dma_start3A_54, %dma_start3A_55] : memref<100000x768xf32, #tpu.memory_space<hbm>> -> memref<100000x768xf32, #tpu.memory_space<hbm>>
    tpu.enqueue_indirect_dma source(%dma_start3A_56 : memref<100000x768xf32, #tpu.memory_space<hbm>>) target(%arg10 : memref<32x768xf32, #tpu.memory_space<vmem>>) offsets(%dma_start3A_53 : memref<32xi32, #tpu.memory_space<vmem>>) semaphore(%arg15 : memref<!tpu.dma_semaphore, #tpu.memory_space<semaphore_mem>>)
    %dma_wait3A = arith.constant 0 : i32
    %dma_wait3A_57 = tpu.memref_slice %arg5[%dma_wait3A] : memref<256xi32, #tpu.memory_space<vmem>> -> memref<32xi32, #tpu.memory_space<vmem>>
    %dma_wait3A_58 = arith.constant 0 : i32
    %dma_wait3A_59 = arith.constant 0 : i32
    %dma_wait3A_60 = tpu.memref_slice %arg2[%dma_wait3A_58, %dma_wait3A_59] : memref<100000x768xf32, #tpu.memory_space<hbm>> -> memref<100000x768xf32, #tpu.memory_space<hbm>>
    tpu.wait_indirect_dma semaphore(%arg11 : memref<!tpu.dma_semaphore, #tpu.memory_space<semaphore_mem>>) src(%dma_wait3A_60 : memref<100000x768xf32, #tpu.memory_space<hbm>>) dst(%arg6 : memref<32x768xf32, #tpu.memory_space<vmem>>)
    %add3A_61 = arith.constant 0 : i32
    %add3A_62 = arith.addi %mul3A_32, %add3A_61 : i32
    %dma_start3A_63 = arith.constant 0 : i32
    %dma_start3A_64 = tpu.memref_slice %arg4[%select_n3A, %add3A_62, %dma_start3A_63] : memref<4x2048x768xf32, #tpu.memory_space<hbm>> -> memref<1x32x768xf32, #tpu.memory_space<hbm>>
    %dma_start3A_65 = tpu.memref_squeeze %dma_start3A_64 : memref<1x32x768xf32, #tpu.memory_space<hbm>> -> memref<32x768xf32, #tpu.memory_space<hbm>>
    %dma_start3A_66 = arith.constant 0 : i32
    %dma_start3A_67 = tpu.memref_slice %arg4[%select_n3A, %add3A_62, %dma_start3A_66] : memref<4x2048x768xf32, #tpu.memory_space<hbm>> -> memref<1x32x768xf32, #tpu.memory_space<hbm>>
    %dma_start3A_68 = tpu.memref_squeeze %dma_start3A_67 : memref<1x32x768xf32, #tpu.memory_space<hbm>> -> memref<32x768xf32, #tpu.memory_space<hbm>>
    tpu.enqueue_dma source(%arg6 : memref<32x768xf32, #tpu.memory_space<vmem>>) target(%dma_start3A_68 : memref<32x768xf32, #tpu.memory_space<hbm>>) target_semaphore(%arg16 : memref<!tpu.dma_semaphore, #tpu.memory_space<semaphore_mem>>)
    %dma_wait3A_69 = arith.constant 0 : i32
    %dma_wait3A_70 = tpu.memref_slice %arg4[%select_n3A, %add3A_62, %dma_wait3A_69] : memref<4x2048x768xf32, #tpu.memory_space<hbm>> -> memref<1x32x768xf32, #tpu.memory_space<hbm>>
    %dma_wait3A_71 = tpu.memref_squeeze %dma_wait3A_70 : memref<1x32x768xf32, #tpu.memory_space<hbm>> -> memref<32x768xf32, #tpu.memory_space<hbm>>
    %dma_wait3A_72 = arith.constant 0 : i32
    %dma_wait3A_73 = tpu.memref_slice %arg4[%select_n3A, %add3A_62, %dma_wait3A_72] : memref<4x2048x768xf32, #tpu.memory_space<hbm>> -> memref<1x32x768xf32, #tpu.memory_space<hbm>>
    %dma_wait3A_74 = tpu.memref_squeeze %dma_wait3A_73 : memref<1x32x768xf32, #tpu.memory_space<hbm>> -> memref<32x768xf32, #tpu.memory_space<hbm>>
    tpu.wait_dma2 semaphore(%arg16 : memref<!tpu.dma_semaphore, #tpu.memory_space<semaphore_mem>>) src(%arg6 : memref<32x768xf32, #tpu.memory_space<vmem>>) dst(%dma_wait3A_74 : memref<32x768xf32, #tpu.memory_space<hbm>>)
    %dma_start3A_75 = arith.constant 160 : i32
    %dma_start3A_76 = tpu.memref_slice %arg5[%dma_start3A_75] : memref<256xi32, #tpu.memory_space<vmem>> -> memref<32xi32, #tpu.memory_space<vmem>>
    %dma_start3A_77 = arith.constant 0 : i32
    %dma_start3A_78 = arith.constant 0 : i32
    %dma_start3A_79 = tpu.memref_slice %arg2[%dma_start3A_77, %dma_start3A_78] : memref<100000x768xf32, #tpu.memory_space<hbm>> -> memref<100000x768xf32, #tpu.memory_space<hbm>>
    tpu.enqueue_indirect_dma source(%dma_start3A_79 : memref<100000x768xf32, #tpu.memory_space<hbm>>) target(%arg6 : memref<32x768xf32, #tpu.memory_space<vmem>>) offsets(%dma_start3A_76 : memref<32xi32, #tpu.memory_space<vmem>>) semaphore(%arg11 : memref<!tpu.dma_semaphore, #tpu.memory_space<semaphore_mem>>)
    %dma_wait3A_80 = arith.constant 32 : i32
    %dma_wait3A_81 = tpu.memref_slice %arg5[%dma_wait3A_80] : memref<256xi32, #tpu.memory_space<vmem>> -> memref<32xi32, #tpu.memory_space<vmem>>
    %dma_wait3A_82 = arith.constant 0 : i32
    %dma_wait3A_83 = arith.constant 0 : i32
    %dma_wait3A_84 = tpu.memref_slice %arg2[%dma_wait3A_82, %dma_wait3A_83] : memref<100000x768xf32, #tpu.memory_space<hbm>> -> memref<100000x768xf32, #tpu.memory_space<hbm>>
    tpu.wait_indirect_dma semaphore(%arg12 : memref<!tpu.dma_semaphore, #tpu.memory_space<semaphore_mem>>) src(%dma_wait3A_84 : memref<100000x768xf32, #tpu.memory_space<hbm>>) dst(%arg7 : memref<32x768xf32, #tpu.memory_space<vmem>>)
    %add3A_85 = arith.constant 32 : i32
    %add3A_86 = arith.addi %mul3A_32, %add3A_85 : i32
    %dma_start3A_87 = arith.constant 0 : i32
    %dma_start3A_88 = tpu.memref_slice %arg4[%select_n3A, %add3A_86, %dma_start3A_87] : memref<4x2048x768xf32, #tpu.memory_space<hbm>> -> memref<1x32x768xf32, #tpu.memory_space<hbm>>
    %dma_start3A_89 = tpu.memref_squeeze %dma_start3A_88 : memref<1x32x768xf32, #tpu.memory_space<hbm>> -> memref<32x768xf32, #tpu.memory_space<hbm>>
    %dma_start3A_90 = arith.constant 0 : i32
    %dma_start3A_91 = tpu.memref_slice %arg4[%select_n3A, %add3A_86, %dma_start3A_90] : memref<4x2048x768xf32, #tpu.memory_space<hbm>> -> memref<1x32x768xf32, #tpu.memory_space<hbm>>
    %dma_start3A_92 = tpu.memref_squeeze %dma_start3A_91 : memref<1x32x768xf32, #tpu.memory_space<hbm>> -> memref<32x768xf32, #tpu.memory_space<hbm>>
    tpu.enqueue_dma source(%arg7 : memref<32x768xf32, #tpu.memory_space<vmem>>) target(%dma_start3A_92 : memref<32x768xf32, #tpu.memory_space<hbm>>) target_semaphore(%arg17 : memref<!tpu.dma_semaphore, #tpu.memory_space<semaphore_mem>>)
    %dma_wait3A_93 = arith.constant 0 : i32
    %dma_wait3A_94 = tpu.memref_slice %arg4[%select_n3A, %add3A_86, %dma_wait3A_93] : memref<4x2048x768xf32, #tpu.memory_space<hbm>> -> memref<1x32x768xf32, #tpu.memory_space<hbm>>
    %dma_wait3A_95 = tpu.memref_squeeze %dma_wait3A_94 : memref<1x32x768xf32, #tpu.memory_space<hbm>> -> memref<32x768xf32, #tpu.memory_space<hbm>>
    %dma_wait3A_96 = arith.constant 0 : i32
    %dma_wait3A_97 = tpu.memref_slice %arg4[%select_n3A, %add3A_86, %dma_wait3A_96] : memref<4x2048x768xf32, #tpu.memory_space<hbm>> -> memref<1x32x768xf32, #tpu.memory_space<hbm>>
    %dma_wait3A_98 = tpu.memref_squeeze %dma_wait3A_97 : memref<1x32x768xf32, #tpu.memory_space<hbm>> -> memref<32x768xf32, #tpu.memory_space<hbm>>
    tpu.wait_dma2 semaphore(%arg17 : memref<!tpu.dma_semaphore, #tpu.memory_space<semaphore_mem>>) src(%arg7 : memref<32x768xf32, #tpu.memory_space<vmem>>) dst(%dma_wait3A_98 : memref<32x768xf32, #tpu.memory_space<hbm>>)
    %dma_start3A_99 = arith.constant 192 : i32
    %dma_start3A_100 = tpu.memref_slice %arg5[%dma_start3A_99] : memref<256xi32, #tpu.memory_space<vmem>> -> memref<32xi32, #tpu.memory_space<vmem>>
    %dma_start3A_101 = arith.constant 0 : i32
    %dma_start3A_102 = arith.constant 0 : i32
    %dma_start3A_103 = tpu.memref_slice %arg2[%dma_start3A_101, %dma_start3A_102] : memref<100000x768xf32, #tpu.memory_space<hbm>> -> memref<100000x768xf32, #tpu.memory_space<hbm>>
    tpu.enqueue_indirect_dma source(%dma_start3A_103 : memref<100000x768xf32, #tpu.memory_space<hbm>>) target(%arg7 : memref<32x768xf32, #tpu.memory_space<vmem>>) offsets(%dma_start3A_100 : memref<32xi32, #tpu.memory_space<vmem>>) semaphore(%arg12 : memref<!tpu.dma_semaphore, #tpu.memory_space<semaphore_mem>>)
    %dma_wait3A_104 = arith.constant 64 : i32
    %dma_wait3A_105 = tpu.memref_slice %arg5[%dma_wait3A_104] : memref<256xi32, #tpu.memory_space<vmem>> -> memref<32xi32, #tpu.memory_space<vmem>>
    %dma_wait3A_106 = arith.constant 0 : i32
    %dma_wait3A_107 = arith.constant 0 : i32
    %dma_wait3A_108 = tpu.memref_slice %arg2[%dma_wait3A_106, %dma_wait3A_107] : memref<100000x768xf32, #tpu.memory_space<hbm>> -> memref<100000x768xf32, #tpu.memory_space<hbm>>
    tpu.wait_indirect_dma semaphore(%arg13 : memref<!tpu.dma_semaphore, #tpu.memory_space<semaphore_mem>>) src(%dma_wait3A_108 : memref<100000x768xf32, #tpu.memory_space<hbm>>) dst(%arg8 : memref<32x768xf32, #tpu.memory_space<vmem>>)
    %add3A_109 = arith.constant 64 : i32
    %add3A_110 = arith.addi %mul3A_32, %add3A_109 : i32
    %dma_start3A_111 = arith.constant 0 : i32
    %dma_start3A_112 = tpu.memref_slice %arg4[%select_n3A, %add3A_110, %dma_start3A_111] : memref<4x2048x768xf32, #tpu.memory_space<hbm>> -> memref<1x32x768xf32, #tpu.memory_space<hbm>>
    %dma_start3A_113 = tpu.memref_squeeze %dma_start3A_112 : memref<1x32x768xf32, #tpu.memory_space<hbm>> -> memref<32x768xf32, #tpu.memory_space<hbm>>
    %dma_start3A_114 = arith.constant 0 : i32
    %dma_start3A_115 = tpu.memref_slice %arg4[%select_n3A, %add3A_110, %dma_start3A_114] : memref<4x2048x768xf32, #tpu.memory_space<hbm>> -> memref<1x32x768xf32, #tpu.memory_space<hbm>>
    %dma_start3A_116 = tpu.memref_squeeze %dma_start3A_115 : memref<1x32x768xf32, #tpu.memory_space<hbm>> -> memref<32x768xf32, #tpu.memory_space<hbm>>
    tpu.enqueue_dma source(%arg8 : memref<32x768xf32, #tpu.memory_space<vmem>>) target(%dma_start3A_116 : memref<32x768xf32, #tpu.memory_space<hbm>>) target_semaphore(%arg18 : memref<!tpu.dma_semaphore, #tpu.memory_space<semaphore_mem>>)
    %dma_wait3A_117 = arith.constant 0 : i32
    %dma_wait3A_118 = tpu.memref_slice %arg4[%select_n3A, %add3A_110, %dma_wait3A_117] : memref<4x2048x768xf32, #tpu.memory_space<hbm>> -> memref<1x32x768xf32, #tpu.memory_space<hbm>>
    %dma_wait3A_119 = tpu.memref_squeeze %dma_wait3A_118 : memref<1x32x768xf32, #tpu.memory_space<hbm>> -> memref<32x768xf32, #tpu.memory_space<hbm>>
    %dma_wait3A_120 = arith.constant 0 : i32
    %dma_wait3A_121 = tpu.memref_slice %arg4[%select_n3A, %add3A_110, %dma_wait3A_120] : memref<4x2048x768xf32, #tpu.memory_space<hbm>> -> memref<1x32x768xf32, #tpu.memory_space<hbm>>
    %dma_wait3A_122 = tpu.memref_squeeze %dma_wait3A_121 : memref<1x32x768xf32, #tpu.memory_space<hbm>> -> memref<32x768xf32, #tpu.memory_space<hbm>>
    tpu.wait_dma2 semaphore(%arg18 : memref<!tpu.dma_semaphore, #tpu.memory_space<semaphore_mem>>) src(%arg8 : memref<32x768xf32, #tpu.memory_space<vmem>>) dst(%dma_wait3A_122 : memref<32x768xf32, #tpu.memory_space<hbm>>)
    %dma_start3A_123 = arith.constant 224 : i32
    %dma_start3A_124 = tpu.memref_slice %arg5[%dma_start3A_123] : memref<256xi32, #tpu.memory_space<vmem>> -> memref<32xi32, #tpu.memory_space<vmem>>
    %dma_start3A_125 = arith.constant 0 : i32
    %dma_start3A_126 = arith.constant 0 : i32
    %dma_start3A_127 = tpu.memref_slice %arg2[%dma_start3A_125, %dma_start3A_126] : memref<100000x768xf32, #tpu.memory_space<hbm>> -> memref<100000x768xf32, #tpu.memory_space<hbm>>
    tpu.enqueue_indirect_dma source(%dma_start3A_127 : memref<100000x768xf32, #tpu.memory_space<hbm>>) target(%arg8 : memref<32x768xf32, #tpu.memory_space<vmem>>) offsets(%dma_start3A_124 : memref<32xi32, #tpu.memory_space<vmem>>) semaphore(%arg13 : memref<!tpu.dma_semaphore, #tpu.memory_space<semaphore_mem>>)
    %dma_wait3A_128 = arith.constant 96 : i32
    %dma_wait3A_129 = tpu.memref_slice %arg5[%dma_wait3A_128] : memref<256xi32, #tpu.memory_space<vmem>> -> memref<32xi32, #tpu.memory_space<vmem>>
    %dma_wait3A_130 = arith.constant 0 : i32
    %dma_wait3A_131 = arith.constant 0 : i32
    %dma_wait3A_132 = tpu.memref_slice %arg2[%dma_wait3A_130, %dma_wait3A_131] : memref<100000x768xf32, #tpu.memory_space<hbm>> -> memref<100000x768xf32, #tpu.memory_space<hbm>>
    tpu.wait_indirect_dma semaphore(%arg14 : memref<!tpu.dma_semaphore, #tpu.memory_space<semaphore_mem>>) src(%dma_wait3A_132 : memref<100000x768xf32, #tpu.memory_space<hbm>>) dst(%arg9 : memref<32x768xf32, #tpu.memory_space<vmem>>)
    %add3A_133 = arith.constant 96 : i32
    %add3A_134 = arith.addi %mul3A_32, %add3A_133 : i32
    %dma_start3A_135 = arith.constant 0 : i32
    %dma_start3A_136 = tpu.memref_slice %arg4[%select_n3A, %add3A_134, %dma_start3A_135] : memref<4x2048x768xf32, #tpu.memory_space<hbm>> -> memref<1x32x768xf32, #tpu.memory_space<hbm>>
    %dma_start3A_137 = tpu.memref_squeeze %dma_start3A_136 : memref<1x32x768xf32, #tpu.memory_space<hbm>> -> memref<32x768xf32, #tpu.memory_space<hbm>>
    %dma_start3A_138 = arith.constant 0 : i32
    %dma_start3A_139 = tpu.memref_slice %arg4[%select_n3A, %add3A_134, %dma_start3A_138] : memref<4x2048x768xf32, #tpu.memory_space<hbm>> -> memref<1x32x768xf32, #tpu.memory_space<hbm>>
    %dma_start3A_140 = tpu.memref_squeeze %dma_start3A_139 : memref<1x32x768xf32, #tpu.memory_space<hbm>> -> memref<32x768xf32, #tpu.memory_space<hbm>>
    tpu.enqueue_dma source(%arg9 : memref<32x768xf32, #tpu.memory_space<vmem>>) target(%dma_start3A_140 : memref<32x768xf32, #tpu.memory_space<hbm>>) target_semaphore(%arg19 : memref<!tpu.dma_semaphore, #tpu.memory_space<semaphore_mem>>)
    %dma_wait3A_141 = arith.constant 128 : i32
    %dma_wait3A_142 = tpu.memref_slice %arg5[%dma_wait3A_141] : memref<256xi32, #tpu.memory_space<vmem>> -> memref<32xi32, #tpu.memory_space<vmem>>
    %dma_wait3A_143 = arith.constant 0 : i32
    %dma_wait3A_144 = arith.constant 0 : i32
    %dma_wait3A_145 = tpu.memref_slice %arg2[%dma_wait3A_143, %dma_wait3A_144] : memref<100000x768xf32, #tpu.memory_space<hbm>> -> memref<100000x768xf32, #tpu.memory_space<hbm>>
    tpu.wait_indirect_dma semaphore(%arg15 : memref<!tpu.dma_semaphore, #tpu.memory_space<semaphore_mem>>) src(%dma_wait3A_145 : memref<100000x768xf32, #tpu.memory_space<hbm>>) dst(%arg10 : memref<32x768xf32, #tpu.memory_space<vmem>>)
    %add3A_146 = arith.constant 128 : i32
    %add3A_147 = arith.addi %mul3A_32, %add3A_146 : i32
    %dma_start3A_148 = arith.constant 0 : i32
    %dma_start3A_149 = tpu.memref_slice %arg4[%select_n3A, %add3A_147, %dma_start3A_148] : memref<4x2048x768xf32, #tpu.memory_space<hbm>> -> memref<1x32x768xf32, #tpu.memory_space<hbm>>
    %dma_start3A_150 = tpu.memref_squeeze %dma_start3A_149 : memref<1x32x768xf32, #tpu.memory_space<hbm>> -> memref<32x768xf32, #tpu.memory_space<hbm>>
    %dma_start3A_151 = arith.constant 0 : i32
    %dma_start3A_152 = tpu.memref_slice %arg4[%select_n3A, %add3A_147, %dma_start3A_151] : memref<4x2048x768xf32, #tpu.memory_space<hbm>> -> memref<1x32x768xf32, #tpu.memory_space<hbm>>
    %dma_start3A_153 = tpu.memref_squeeze %dma_start3A_152 : memref<1x32x768xf32, #tpu.memory_space<hbm>> -> memref<32x768xf32, #tpu.memory_space<hbm>>
    tpu.enqueue_dma source(%arg10 : memref<32x768xf32, #tpu.memory_space<vmem>>) target(%dma_start3A_153 : memref<32x768xf32, #tpu.memory_space<hbm>>) target_semaphore(%arg20 : memref<!tpu.dma_semaphore, #tpu.memory_space<semaphore_mem>>)
    %dma_wait3A_154 = arith.constant 160 : i32
    %dma_wait3A_155 = tpu.memref_slice %arg5[%dma_wait3A_154] : memref<256xi32, #tpu.memory_space<vmem>> -> memref<32xi32, #tpu.memory_space<vmem>>
    %dma_wait3A_156 = arith.constant 0 : i32
    %dma_wait3A_157 = arith.constant 0 : i32
    %dma_wait3A_158 = tpu.memref_slice %arg2[%dma_wait3A_156, %dma_wait3A_157] : memref<100000x768xf32, #tpu.memory_space<hbm>> -> memref<100000x768xf32, #tpu.memory_space<hbm>>
    tpu.wait_indirect_dma semaphore(%arg11 : memref<!tpu.dma_semaphore, #tpu.memory_space<semaphore_mem>>) src(%dma_wait3A_158 : memref<100000x768xf32, #tpu.memory_space<hbm>>) dst(%arg6 : memref<32x768xf32, #tpu.memory_space<vmem>>)
    %add3A_159 = arith.constant 160 : i32
    %add3A_160 = arith.addi %mul3A_32, %add3A_159 : i32
    %dma_start3A_161 = arith.constant 0 : i32
    %dma_start3A_162 = tpu.memref_slice %arg4[%select_n3A, %add3A_160, %dma_start3A_161] : memref<4x2048x768xf32, #tpu.memory_space<hbm>> -> memref<1x32x768xf32, #tpu.memory_space<hbm>>
    %dma_start3A_163 = tpu.memref_squeeze %dma_start3A_162 : memref<1x32x768xf32, #tpu.memory_space<hbm>> -> memref<32x768xf32, #tpu.memory_space<hbm>>
    %dma_start3A_164 = arith.constant 0 : i32
    %dma_start3A_165 = tpu.memref_slice %arg4[%select_n3A, %add3A_160, %dma_start3A_164] : memref<4x2048x768xf32, #tpu.memory_space<hbm>> -> memref<1x32x768xf32, #tpu.memory_space<hbm>>
    %dma_start3A_166 = tpu.memref_squeeze %dma_start3A_165 : memref<1x32x768xf32, #tpu.memory_space<hbm>> -> memref<32x768xf32, #tpu.memory_space<hbm>>
    tpu.enqueue_dma source(%arg6 : memref<32x768xf32, #tpu.memory_space<vmem>>) target(%dma_start3A_166 : memref<32x768xf32, #tpu.memory_space<hbm>>) target_semaphore(%arg16 : memref<!tpu.dma_semaphore, #tpu.memory_space<semaphore_mem>>)
    %dma_wait3A_167 = arith.constant 192 : i32
    %dma_wait3A_168 = tpu.memref_slice %arg5[%dma_wait3A_167] : memref<256xi32, #tpu.memory_space<vmem>> -> memref<32xi32, #tpu.memory_space<vmem>>
    %dma_wait3A_169 = arith.constant 0 : i32
    %dma_wait3A_170 = arith.constant 0 : i32
    %dma_wait3A_171 = tpu.memref_slice %arg2[%dma_wait3A_169, %dma_wait3A_170] : memref<100000x768xf32, #tpu.memory_space<hbm>> -> memref<100000x768xf32, #tpu.memory_space<hbm>>
    tpu.wait_indirect_dma semaphore(%arg12 : memref<!tpu.dma_semaphore, #tpu.memory_space<semaphore_mem>>) src(%dma_wait3A_171 : memref<100000x768xf32, #tpu.memory_space<hbm>>) dst(%arg7 : memref<32x768xf32, #tpu.memory_space<vmem>>)
    %add3A_172 = arith.constant 192 : i32
    %add3A_173 = arith.addi %mul3A_32, %add3A_172 : i32
    %dma_start3A_174 = arith.constant 0 : i32
    %dma_start3A_175 = tpu.memref_slice %arg4[%select_n3A, %add3A_173, %dma_start3A_174] : memref<4x2048x768xf32, #tpu.memory_space<hbm>> -> memref<1x32x768xf32, #tpu.memory_space<hbm>>
    %dma_start3A_176 = tpu.memref_squeeze %dma_start3A_175 : memref<1x32x768xf32, #tpu.memory_space<hbm>> -> memref<32x768xf32, #tpu.memory_space<hbm>>
    %dma_start3A_177 = arith.constant 0 : i32
    %dma_start3A_178 = tpu.memref_slice %arg4[%select_n3A, %add3A_173, %dma_start3A_177] : memref<4x2048x768xf32, #tpu.memory_space<hbm>> -> memref<1x32x768xf32, #tpu.memory_space<hbm>>
    %dma_start3A_179 = tpu.memref_squeeze %dma_start3A_178 : memref<1x32x768xf32, #tpu.memory_space<hbm>> -> memref<32x768xf32, #tpu.memory_space<hbm>>
    tpu.enqueue_dma source(%arg7 : memref<32x768xf32, #tpu.memory_space<vmem>>) target(%dma_start3A_179 : memref<32x768xf32, #tpu.memory_space<hbm>>) target_semaphore(%arg17 : memref<!tpu.dma_semaphore, #tpu.memory_space<semaphore_mem>>)
    %dma_wait3A_180 = arith.constant 224 : i32
    %dma_wait3A_181 = tpu.memref_slice %arg5[%dma_wait3A_180] : memref<256xi32, #tpu.memory_space<vmem>> -> memref<32xi32, #tpu.memory_space<vmem>>
    %dma_wait3A_182 = arith.constant 0 : i32
    %dma_wait3A_183 = arith.constant 0 : i32
    %dma_wait3A_184 = tpu.memref_slice %arg2[%dma_wait3A_182, %dma_wait3A_183] : memref<100000x768xf32, #tpu.memory_space<hbm>> -> memref<100000x768xf32, #tpu.memory_space<hbm>>
    tpu.wait_indirect_dma semaphore(%arg13 : memref<!tpu.dma_semaphore, #tpu.memory_space<semaphore_mem>>) src(%dma_wait3A_184 : memref<100000x768xf32, #tpu.memory_space<hbm>>) dst(%arg8 : memref<32x768xf32, #tpu.memory_space<vmem>>)
    %add3A_185 = arith.constant 224 : i32
    %add3A_186 = arith.addi %mul3A_32, %add3A_185 : i32
    %dma_start3A_187 = arith.constant 0 : i32
    %dma_start3A_188 = tpu.memref_slice %arg4[%select_n3A, %add3A_186, %dma_start3A_187] : memref<4x2048x768xf32, #tpu.memory_space<hbm>> -> memref<1x32x768xf32, #tpu.memory_space<hbm>>
    %dma_start3A_189 = tpu.memref_squeeze %dma_start3A_188 : memref<1x32x768xf32, #tpu.memory_space<hbm>> -> memref<32x768xf32, #tpu.memory_space<hbm>>
    %dma_start3A_190 = arith.constant 0 : i32
    %dma_start3A_191 = tpu.memref_slice %arg4[%select_n3A, %add3A_186, %dma_start3A_190] : memref<4x2048x768xf32, #tpu.memory_space<hbm>> -> memref<1x32x768xf32, #tpu.memory_space<hbm>>
    %dma_start3A_192 = tpu.memref_squeeze %dma_start3A_191 : memref<1x32x768xf32, #tpu.memory_space<hbm>> -> memref<32x768xf32, #tpu.memory_space<hbm>>
    tpu.enqueue_dma source(%arg8 : memref<32x768xf32, #tpu.memory_space<vmem>>) target(%dma_start3A_192 : memref<32x768xf32, #tpu.memory_space<hbm>>) target_semaphore(%arg18 : memref<!tpu.dma_semaphore, #tpu.memory_space<semaphore_mem>>)
    %dma_wait3A_193 = arith.constant 0 : i32
    %dma_wait3A_194 = tpu.memref_slice %arg4[%select_n3A, %add3A_147, %dma_wait3A_193] : memref<4x2048x768xf32, #tpu.memory_space<hbm>> -> memref<1x32x768xf32, #tpu.memory_space<hbm>>
    %dma_wait3A_195 = tpu.memref_squeeze %dma_wait3A_194 : memref<1x32x768xf32, #tpu.memory_space<hbm>> -> memref<32x768xf32, #tpu.memory_space<hbm>>
    %dma_wait3A_196 = arith.constant 0 : i32
    %dma_wait3A_197 = tpu.memref_slice %arg4[%select_n3A, %add3A_147, %dma_wait3A_196] : memref<4x2048x768xf32, #tpu.memory_space<hbm>> -> memref<1x32x768xf32, #tpu.memory_space<hbm>>
    %dma_wait3A_198 = tpu.memref_squeeze %dma_wait3A_197 : memref<1x32x768xf32, #tpu.memory_space<hbm>> -> memref<32x768xf32, #tpu.memory_space<hbm>>
    tpu.wait_dma2 semaphore(%arg20 : memref<!tpu.dma_semaphore, #tpu.memory_space<semaphore_mem>>) src(%arg10 : memref<32x768xf32, #tpu.memory_space<vmem>>) dst(%dma_wait3A_198 : memref<32x768xf32, #tpu.memory_space<hbm>>)
    %dma_wait3A_199 = arith.constant 0 : i32
    %dma_wait3A_200 = tpu.memref_slice %arg4[%select_n3A, %add3A_160, %dma_wait3A_199] : memref<4x2048x768xf32, #tpu.memory_space<hbm>> -> memref<1x32x768xf32, #tpu.memory_space<hbm>>
    %dma_wait3A_201 = tpu.memref_squeeze %dma_wait3A_200 : memref<1x32x768xf32, #tpu.memory_space<hbm>> -> memref<32x768xf32, #tpu.memory_space<hbm>>
    %dma_wait3A_202 = arith.constant 0 : i32
    %dma_wait3A_203 = tpu.memref_slice %arg4[%select_n3A, %add3A_160, %dma_wait3A_202] : memref<4x2048x768xf32, #tpu.memory_space<hbm>> -> memref<1x32x768xf32, #tpu.memory_space<hbm>>
    %dma_wait3A_204 = tpu.memref_squeeze %dma_wait3A_203 : memref<1x32x768xf32, #tpu.memory_space<hbm>> -> memref<32x768xf32, #tpu.memory_space<hbm>>
    tpu.wait_dma2 semaphore(%arg16 : memref<!tpu.dma_semaphore, #tpu.memory_space<semaphore_mem>>) src(%arg6 : memref<32x768xf32, #tpu.memory_space<vmem>>) dst(%dma_wait3A_204 : memref<32x768xf32, #tpu.memory_space<hbm>>)
    %dma_wait3A_205 = arith.constant 0 : i32
    %dma_wait3A_206 = tpu.memref_slice %arg4[%select_n3A, %add3A_173, %dma_wait3A_205] : memref<4x2048x768xf32, #tpu.memory_space<hbm>> -> memref<1x32x768xf32, #tpu.memory_space<hbm>>
    %dma_wait3A_207 = tpu.memref_squeeze %dma_wait3A_206 : memref<1x32x768xf32, #tpu.memory_space<hbm>> -> memref<32x768xf32, #tpu.memory_space<hbm>>
    %dma_wait3A_208 = arith.constant 0 : i32
    %dma_wait3A_209 = tpu.memref_slice %arg4[%select_n3A, %add3A_173, %dma_wait3A_208] : memref<4x2048x768xf32, #tpu.memory_space<hbm>> -> memref<1x32x768xf32, #tpu.memory_space<hbm>>
    %dma_wait3A_210 = tpu.memref_squeeze %dma_wait3A_209 : memref<1x32x768xf32, #tpu.memory_space<hbm>> -> memref<32x768xf32, #tpu.memory_space<hbm>>
    tpu.wait_dma2 semaphore(%arg17 : memref<!tpu.dma_semaphore, #tpu.memory_space<semaphore_mem>>) src(%arg7 : memref<32x768xf32, #tpu.memory_space<vmem>>) dst(%dma_wait3A_210 : memref<32x768xf32, #tpu.memory_space<hbm>>)
    %dma_wait3A_211 = arith.constant 0 : i32
    %dma_wait3A_212 = tpu.memref_slice %arg4[%select_n3A, %add3A_186, %dma_wait3A_211] : memref<4x2048x768xf32, #tpu.memory_space<hbm>> -> memref<1x32x768xf32, #tpu.memory_space<hbm>>
    %dma_wait3A_213 = tpu.memref_squeeze %dma_wait3A_212 : memref<1x32x768xf32, #tpu.memory_space<hbm>> -> memref<32x768xf32, #tpu.memory_space<hbm>>
    %dma_wait3A_214 = arith.constant 0 : i32
    %dma_wait3A_215 = tpu.memref_slice %arg4[%select_n3A, %add3A_186, %dma_wait3A_214] : memref<4x2048x768xf32, #tpu.memory_space<hbm>> -> memref<1x32x768xf32, #tpu.memory_space<hbm>>
    %dma_wait3A_216 = tpu.memref_squeeze %dma_wait3A_215 : memref<1x32x768xf32, #tpu.memory_space<hbm>> -> memref<32x768xf32, #tpu.memory_space<hbm>>
    tpu.wait_dma2 semaphore(%arg18 : memref<!tpu.dma_semaphore, #tpu.memory_space<semaphore_mem>>) src(%arg8 : memref<32x768xf32, #tpu.memory_space<vmem>>) dst(%dma_wait3A_216 : memref<32x768xf32, #tpu.memory_space<hbm>>)
    return
  }
}

</mosaic_0001>

<sc_bundles>
// kernel: kernel.3.cloned.1.call-start
scs
__scs_entry_jumppad:
0x0: {  	(pc) =	sbr.rel $0x88, $3  }
0x1: {  	(tag) =	ssettag $0x0;
	lr =	simm.s32 $0x1  }
0x2: {  	[smem:$0x3F9F] =	sst lr;
	_ =	strace $0xD0000000  }
0x3: {  	_ = 	snop  }
0x4: {  	_ = 	snop  }
0x5: {  	_ = 	snop  }
0x6: {  	_ = 	snop  }
0x7: {  	_ = 	snop  }
__scs_overlays_trampoline_lowered:
0x8: {  	[smem:$0x3FAE] =	sst s0  }
0x9: {  	[smem:$0x3FAF] =	sst s1  }
0xa: {  	[smem:$0x3FB0] =	sst s2  }
0xb: {  	[smem:$0x3FB1] =	sst s3  }
0xc: {  	[smem:$0x3FB2] =	sst s4  }
0xd: {  	[smem:$0x3FB3] =	sst s5  }
0xe: {  	[smem:$0x3FB4] =	sst s6  }
0xf: {  	[smem:$0x3FB5] =	sst s7  }
0x10: {  	[smem:$0x3FB6] =	sst s8  }
0x11: {  	[smem:$0x3FB7] =	sst s9;
	s0 =	simm.s32 @!p0 $0x0  }
0x12: {  	s1 =	sld [smem:$0x3F9D];
	s0 =	simm.s32 @p0 $0x1  }
0x13: {  	[smem:$0x3FB8] =	sst s0;
	s0 =	simm.s32 @!p1 $0x0  }
0x14: {  	s2 =	sld [smem:$0x3F9C];
	s0 =	simm.s32 @p1 $0x1  }
0x15: {  	[smem:$0x3FB9] =	sst s0;
	s0 =	simm.s32 @!p2 $0x0  }
0x16: {  	s3 =	sld [smem:$0x3FDB];
	s0 =	simm.s32 @p2 $0x1  }
0x17: {  	s4 =	simm.s32 $0x1BF5;
	[smem:$0x3FBB] =	sst s0  }
0x18: {  	s0 =	sld [smem:$0x3F9E];
	_ =	swait.ge [sflag:s4], $0x0  }
0x19: {  	s7 =	sld [smem:$0x3F9F]  }
0x1a: {  	s8 =	sadd.s32 $0xFFFFE003, lr  }
0x1b: {  	s9 =	sadd.s32 $0xFFFFFEF7, lr;
	s5 =	simm.s32 $0xFFFFFFFF;
	p2 =	slt.u32 s8, $0xFFFFF086  }
0x1c: {  	p1 =	slt.u32 s9, $0xF7A;
	s5 =	simm.s32 @!p2 $0x0  }
0x1d: {  	s5 =	simm.s32 @p1 $0x1;
	p0 =	seq.s32 s7, s2  }
0x1e: {  	s7 =	smul.u32 @!p0 $0xF7A, s2;
	p2 =	seq.s32 @!p0 s5, $0x0  }
0x1f: {  	s9 =	smul.u32 $0xF7A, s1;
	s8 =	simm.s32 @!p0 $0x1BF5;
	p2 =	por !p2, p0  }
0x20: {  	[sflag:s8] =	ssyncset.s32 @!p0 $0xFFFFF086;
	s6 =	sadd.s32 @!p0 s3, s7;
	s7 =	simm.s32 @!p0 $0x108  }
0x21: {  	s3 =	sadd.s32 s3, s9;
	s6 =	sadd.s32 @!p0 $0x88, s6;
	s7 =	simm.s32 @p2 $0x1082  }
0x22: {  	[simem:s7], [sflag:s8] =	dma.local @!p0 [hbm:s6], $0xF7A  }
0x23: {  	s9 =	sor.u32 $0xD0000000, s2;
	s6 =	simm.s32 $0x108;
	_ =	swait.ge @!p0 [sflag:s8], $0x0  }
0x24: {  	s3 =	sadd.s32 $0x88, s3;
	s6 =	simm.s32 @!p1 $0x1082;
	[sflag:s4] =	ssyncset.s32 $0xFFFFF086  }
0x25: {  	[simem:s6], [sflag:s4] =	dma.local [hbm:s3], $0xF7A  }
0x26: {  	[smem:$0x3F9F] =	sst s1;
	(tag) =	ssettag s2;
	_ =	strace s9  }
0x27: {  	s1 =	sld [smem:$0x3FAF]  }
0x28: {  	s2 =	sld [smem:$0x3FB0]  }
0x29: {  	s4 =	sld [smem:$0x3FB2]  }
0x2a: {  	p0 =	seq.s32 s5, $0x0;
	s5 =	sld [smem:$0x3FB3]  }
0x2b: {  	s6 =	sld [smem:$0x3FB4]  }
0x2c: {  	s7 =	sld [smem:$0x3FB5]  }
0x2d: {  	s3 =	simm.s32 $0x108;
	s8 =	sld [smem:$0x3FB6]  }
0x2e: {  	s3 =	simm.s32 @!p0 $0x1082;
	s9 =	sld [smem:$0x3FB7]  }
0x2f: {  	lr =	sadd.s32 s0, s3;
	s0 =	sld [smem:$0x3FAE]  }
0x30: {  	s3 =	sld [smem:$0x3FB1]  }
0x31: {  	[smem:$0x3FBA] =	sst s10  }
0x32: {  	s10 =	sld [smem:$0x3FB8];
	_ =	sdelay $0x3  }
0x33: {  	p0 =	seq.s32 s10, $0x1;
	s10 =	sld [smem:$0x3FBA];
	_ =	sdelay $0x3  }
0x34: {  	[smem:$0x3FBA] =	sst s10  }
0x35: {  	s10 =	sld [smem:$0x3FB9];
	_ =	sdelay $0x3  }
0x36: {  	p1 =	seq.s32 s10, $0x1;
	s10 =	sld [smem:$0x3FBA];
	_ =	sdelay $0x3  }
0x37: {  	[smem:$0x3FBA] =	sst s10  }
0x38: {  	s10 =	sld [smem:$0x3FBB]  }
0x39: {  	_ = 	snop;
	(pc) =	sbr.ind lr, $3  }
0x3a: {  	_ = 	snop  }
0x3b: {  	_ = 	snop  }
0x3c: {  	p2 =	seq.s32 s10, $0x1;
	s10 =	sld [smem:$0x3FBA]  }
0x3d: {  	_ =	shalt  }
0x3e: {  	_ =	shalt  }
0x3f: {  	_ =	shalt  }
0x40: {  	_ =	shalt  }
0x41: {  	_ =	shalt  }
0x42: {  	_ =	shalt  }
0x43: {  	_ =	shalt  }
0x44: {  	_ =	shalt  }
0x45: {  	_ =	shalt  }
0x46: {  	_ =	shalt  }
0x47: {  	_ =	shalt  }
0x48: {  	_ =	shalt  }
0x49: {  	_ =	shalt  }
0x4a: {  	_ =	shalt  }
0x4b: {  	_ =	shalt  }
0x4c: {  	_ =	shalt  }
0x4d: {  	_ =	shalt  }
0x4e: {  	_ =	shalt  }
0x4f: {  	_ =	shalt  }
0x50: {  	_ =	shalt  }
0x51: {  	_ =	shalt  }
0x52: {  	_ =	shalt  }
0x53: {  	_ =	shalt  }
0x54: {  	_ =	shalt  }
0x55: {  	_ =	shalt  }
0x56: {  	_ =	shalt  }
0x57: {  	_ =	shalt  }
0x58: {  	_ =	shalt  }
0x59: {  	_ =	shalt  }
0x5a: {  	_ =	shalt  }
0x5b: {  	_ =	shalt  }
0x5c: {  	_ =	shalt  }
0x5d: {  	_ =	shalt  }
0x5e: {  	_ =	shalt  }
0x5f: {  	_ =	shalt  }
0x60: {  	_ =	shalt  }
0x61: {  	_ =	shalt  }
0x62: {  	_ =	shalt  }
0x63: {  	_ =	shalt  }
0x64: {  	_ =	shalt  }
0x65: {  	_ =	shalt  }
0x66: {  	_ =	shalt  }
0x67: {  	_ =	shalt  }
0x68: {  	_ =	shalt  }
0x69: {  	_ =	shalt  }
0x6a: {  	_ =	shalt  }
0x6b: {  	_ =	shalt  }
0x6c: {  	_ =	shalt  }
0x6d: {  	_ =	shalt  }
0x6e: {  	_ =	shalt  }
0x6f: {  	_ =	shalt  }
0x70: {  	_ =	shalt  }
0x71: {  	_ =	shalt  }
0x72: {  	_ =	shalt  }
0x73: {  	_ =	shalt  }
0x74: {  	_ =	shalt  }
0x75: {  	_ =	shalt  }
0x76: {  	_ =	shalt  }
0x77: {  	_ =	shalt  }
0x78: {  	_ =	shalt  }
0x79: {  	_ =	shalt  }
0x7a: {  	_ =	shalt  }
0x7b: {  	_ =	shalt  }
0x7c: {  	_ =	shalt  }
0x7d: {  	_ =	shalt  }
0x7e: {  	_ =	shalt  }
0x7f: {  	_ =	shalt  }
0x80: {  	_ =	shalt  }
0x81: {  	_ =	shalt  }
0x82: {  	_ =	shalt  }
0x83: {  	_ =	shalt  }
0x84: {  	_ =	shalt  }
0x85: {  	_ =	shalt  }
0x86: {  	_ =	shalt  }
0x87: {  	_ =	shalt  }
.Lfunc_end0:
.L_simem_size_0:
called_computation_lowered:
.L_overlay_start_0:
0x88: {  	s2 =	sld [smem:$0x3FD9]  }
0x89: {  	s3 =	sld [smem:$0x3FFE];
	_ =	sdelay $0x1  }
0x8a: {  	s1 =	srdreg.scid  }
0x8b: {  	s0 =	sand.u32 $0x1, s1  }
0x8c: {  	s18 =	sshll.u32 s0, $0xA;
	s2 =	sadd.s32 s3, s2  }
0x8d: {  	s2 =	sadd.s32 s2, s18  }
0x8e: {  	[smem:$0x3FC6] =	sst s2  }
0x8f: {  	_ = 	snop  }
0x90: {  	s2 =	sld [smem:$0x3FC9]  }
0x91: {  	s19 =	sld [smem:$0x3FC8]  }
0x92: {  	s4 =	sld [smem:$0x3FD0];
	(tm) =	ssettm $0x1  }
0x93: {  	s5 =	sld [smem:$0x3FFB];
	_ =	sdelay $0x3  }
0x94: {  	_ =	strace s5  }
0x95: {  	s5 =	sld [smem:$0x3FFC];
	_ =	sdelay $0x3  }
0x96: {  	_ =	strace s5  }
0x97: {  	s5 =	sld [smem:$0x3FFD];
	_ =	sdelay $0x3  }
0x98: {  	_ =	strace s5  }
0x99: {  	_ =	strace $0x8FFFFFFF  }
0x9a: {  	s20 =	sld [smem:$0x3FDB];
	_ =	sdelay $0x1  }
0x9b: {  	s6 =	simm.s32 $_scs_section_size  }
0x9c: {  	s7 =	simm.s32 $_size__tile_overlayer_lowered;
	s8 =	simm.s32 $_tile_overlayer_lowered  }
0x9d: {  	s23 =	simm.s32 $0x1BFF;
	s22 =	sshll.u32 s8, $0x1;
	s5 =	sadd.s32 s6, s20  }
0x9e: {  	s9 =	simm.s32 $0x0;
	s21 =	sshll.u32 s7, $0x1;
	s7 =	sadd.s32 s22, s5  }
0x9f: {  	[timem:s9], [sflag:s23] =	dma.local [hbm:s7], s21  }
0xa0: {  	_ =	swait.ge [sflag:s23], s21  }
0xa1: {  	s6 =	ssub.s32 $0x0, s21;
	[sflag:s23] =	ssyncset.done $0x0  }
0xa2: {  	[sflag:s23] =	ssyncadd.s32 s6;
	_ =	sdelay $0x1  }
0xa3: {  	s24 =	simm.s32 $0x1B8B  }
0xa4: {  	_ =	swait.ge [sflag:s24], $0x1  }
0xa5: {  	[sflag:s24] =	ssyncset.done $0x0  }
0xa6: {  	s25 =	simm.s32 $0x1B8E;
	[sflag:s24] =	ssyncadd.s32 $0xFFFFFFFF  }
0xa7: {  	s26 =	simm.s32 $execute0_lowered;
	[smem:$0x3FD2] =	sst s25  }
0xa8: {  	s6 =	sshll.u32 s26, $0x1;
	_ =	strace $0x80000046;
	[dreg:$0x1] =	wrdreg $0xFFFFFFFF  }
0xa9: {  	s28 =	simm.s32 $_size_execute0_lowered;
	s5 =	sadd.s32 s5, s6;
	[dreg:$0x0] =	wrdreg $0x0  }
0xaa: {  	s6 =	sshll.u32 s28, $0x1;
	[dreg:$0x2] =	wrdreg s5  }
0xab: {  	[dreg:$0x3] =	wrdreg s6  }
0xac: {  	[dreg:$0x4] =	wrdreg $0xC0  }
0xad: {  	_ =	task [dreg:s9], $0x5FFFF  }
0xae: {  	[dreg:$0x1] =	wrdreg $0xFFFFFFFF  }
0xaf: {  	[dreg:$0x0] =	wrdreg $0x60  }
0xb0: {  	[dreg:$0x2] =	wrdreg s19  }
0xb1: {  	[dreg:$0x3] =	wrdreg s2  }
0xb2: {  	[dreg:$0x4] =	wrdreg s4  }
0xb3: {  	[dreg:$0x5] =	wrdreg $0x9  }
0xb4: {  	_ =	task.clear_ibuf [dreg:s9], $0x6FFFF;
	_ =	strace $0x90000046  }
0xb5: {  	s29 =	simm.s32 $0x9;
	_ =	strace $0x80000048  }
0xb6: {  	_ =	swait.ge [sflag:s29], $0x1  }
0xb7: {  	[sflag:s29] =	ssyncadd.s32 $0xFFFFFFFF  }
0xb8: {  	_ =	strace $0x90000048  }
0xb9: {  	_ =	sfence  }
0xba: {  	s30 =	sld [smem:$0x0];
	_ =	sdelay $0x2  }
0xbb: {  	s31 =	sshll.u32 s1, $0xD;
	s1 =	sshrl.u32 s1, $0x2  }
0xbc: {  	s3 =	sand.u32 $0x4000, s31;
	s1 =	sadd.s32 s1, s30  }
0xbd: {  	s0 =	sor.u32 s3, s0;
	s1 =	sshll.u32 s1, $0x11  }
0xbe: {  	s0 =	sor.u32 s1, s0  }
0xbf: {  	s0 =	sadd.s32 $0x8F2B, s0  }
0xc0: {  	[sflag:s0] =	ssyncadd.remote.s32 $0x1  }
0xc1: {  	_ =	sfence.sel $0xFFFF  }
0xc2: {  	[dreg:$0x0] =	wrdreg $0xFFFFFFFF;
	(pc) =	sbr.abs _section_cstart, $3  }
0xc3: {  	[dreg:$0x1] =	wrdreg $0xFFFFFFFF  }
0xc4: {  	_ =	task.clear_ibuf [dreg:s9], $0x2FFFF;
	_ =	strace $0x9FFFFFFF  }
0xc5: {  	(tm) =	ssettm $0x7FFFFFFF  }
tec
execute0_lowered:
.L_overlay_start_1:
0x0: {  	(tag) =	ssettag $0x1  }
0x1: {  	s1 =	rddreg [dreg:$0x0]  }
0x2: {  	s5 =	rddreg [dreg:$0x1]  }
0x3: {  	s3 =	stileid.u32;
	s7 =	rddreg [dreg:$0x2]  }
0x4: {  	s2 =	sshll.u32 s3, $0x1;
	s4 =	sshrl.u32 s3, $0x2;
	s3 =	simm.s32 $0x0  }
0x5: {  	s25 =	simm.s32 $0x80;
	[smem:$0x7FF] =	sst s3  }
0x6: {  	s26 =	simm.s32 $0x200;
	_ =	strace $0x80000047;
	[dreg:$0xc] =	wrdreg s25  }
0x7: {  	s0 =	srdreg.scid;
	s9 =	simm.s32 $0x14900;
	[dreg:$0xd] =	wrdreg s26  }
0x8: {  	s10 =	simm.s32 $0x15100;
	s11 =	simm.s32 $0x15900;
	[dreg:$0x12] =	wrdreg s9  }
0x9: {  	s12 =	simm.s32 $0x16100;
	s13 =	simm.s32 $0x16900;
	[dreg:$0x13] =	wrdreg s10  }
0xa: {  	s14 =	simm.s32 $0x17100;
	s15 =	simm.s32 $0x17900;
	[dreg:$0x14] =	wrdreg s11  }
0xb: {  	s0 =	sand.u32 $0x1, s0;
	s2 =	sand.u32 $0x6, s2;
	[dreg:$0x15] =	wrdreg s12  }
0xc: {  	s6 =	smul.u32 $0x180000, s4;
	s4 =	sshll.u32 s4, $0x4;
	[dreg:$0x16] =	wrdreg s13  }
0xd: {  	s2 =	sor.u32 s0, s2;
	s4 =	sadd.s32 s5, s4;
	[dreg:$0x17] =	wrdreg s14  }
0xe: {  	[dreg:$0x18] =	wrdreg s15;
	s25 =	simm.s32 $0x1D100;
	s26 =	simm.s32 $0x1D900  }
0xf: {  	s8 =	smul.u32 $0x30000, s2;
	s2 =	sshll.u32 s2, $0x7;
	[smem:$0x7FC] =	sst s25  }
0x10: {  	[smem:$0x7FD] =	sst s26;
	s2 =	sadd.s32 s2, s4  }
0x11: {  	s4 =	simm.s32 $0x12900;
	[dreg:$0x4] =	wrdreg s2  }
0x12: {  	s6 =	sadd.s32 s6, s8;
	[dreg:$0xe] =	wrdreg s4;
	s8 =	simm.s32 $0x14100  }
0x13: {  	s16 =	sshrl.u32 s6, $0x3;
	s6 =	simm.s32 $0x13100;
	[dreg:$0x11] =	wrdreg s8  }
0x14: {  	s28 =	simm.s32 $0x2;
	s17 =	sadd.s32 s7, s16;
	[dreg:$0xf] =	wrdreg s6  }
0x15: {  	s29 =	simm.s32 $0x7;
	s7 =	simm.s32 $0x13900;
	[smem:$0x7F9] =	sst s17  }
0x16: {  	s30 =	simm.s32 $0x8;
	s16 =	simm.s32 $0x18900;
	[dreg:$0x10] =	wrdreg s7  }
0x17: {  	s31 =	simm.s32 $0x7100;
	s18 =	sadd.s32 $0xC00, s17;
	[dreg:$0x19] =	wrdreg s16  }
0x18: {  	s0 =	ssub.s32 $0x2, s0;
	s19 =	sadd.s32 $0x1800, s17;
	[dreg:$0x5] =	wrdreg s18  }
0x19: {  	s14 =	simm.s32 $0x1100;
	s20 =	sadd.s32 $0x2400, s17;
	[dreg:$0x6] =	wrdreg s19  }
0x1a: {  	s15 =	simm.s32 $0x1900;
	s21 =	sadd.s32 $0x3000, s17;
	[dreg:$0x7] =	wrdreg s20  }
0x1b: {  	s10 =	simm.s32 $0x6100;
	s22 =	sadd.s32 $0x3C00, s17;
	[dreg:$0x8] =	wrdreg s21  }
0x1c: {  	s9 =	simm.s32 $0x8900;
	s23 =	sadd.s32 $0x4800, s17;
	[dreg:$0x9] =	wrdreg s22  }
0x1d: {  	s5 =	sshrl.u32 s0, $0x1;
	s24 =	sadd.s32 $0x5400, s17;
	[dreg:$0xa] =	wrdreg s23  }
0x1e: {  	s25 =	simm.s32 $0x1;
	s17 =	simm.s32 $0x19100;
	[dreg:$0xb] =	wrdreg s24  }
0x1f: {  	s26 =	simm.s32 $0x6;
	[dreg:$0x1a] =	wrdreg s17;
	s18 =	simm.s32 $0x19900  }
0x20: {  	s0 =	ssub.s32 s0, s5;
	s19 =	simm.s32 $0x1A100;
	[dreg:$0x1b] =	wrdreg s18  }
0x21: {  	s5 =	sadd.s32 $0x100, s1;
	s20 =	simm.s32 $0x1A900;
	[dreg:$0x1c] =	wrdreg s19  }
0x22: {  	s4 =	simm.s32 $0x3;
	s21 =	simm.s32 $0x1B100;
	[dreg:$0x1d] =	wrdreg s20  }
0x23: {  	s6 =	sadd.s32 $0x200, s1;
	s22 =	simm.s32 $0x1B900;
	[dreg:$0x1e] =	wrdreg s21  }
0x24: {  	s7 =	smax.u32 s0, $0x1;
	s23 =	simm.s32 $0x1C100;
	[dreg:$0x1f] =	wrdreg s22  }
0x25: {  	s16 =	simm.s32 $0x2100;
	s24 =	simm.s32 $0x1C900;
	[smem:$0x7FA] =	sst s23  }
0x26: {  	v2 =	vlaneseq.u32;
	s17 =	simm.s32 $0x2900;
	[smem:$0x7FB] =	sst s24;
	s21 =	simm.s32 $0x100  }
0x27: {  	vm0 =	vmmov $0xffff;
	v1 =	vshrl.u32 v2, $0x3;
	s18 =	simm.s32 $0x3100;
	s19 =	simm.s32 $0x3900;
	s20 =	simm.s32 $0x4100  }
0x28: {  	v0 =	vand.u32 $0x7, v2;
	v2 =	vor.u32 $0x8, v2;
	v1 =	vmul.u32 $0x8, v1;
	s22 =	simm.s32 $0x4900;
	s23 =	simm.s32 $0x5100;
	s24 =	simm.s32 $0x5900  }
.LBB2_1:
0x29: {  	s11 =	rddreg [dreg:$0x4]  }
0x2a: {  	s12 =	rddreg [dreg:$0xc]  }
0x2b: {  	s13 =	rddreg [dreg:$0xd];
	s8 =	simm.s32 $0xB  }
0x2c: {  	[tilespmem:s3], [sflag:$0xB] =	stream.strided.gather [hbm4b:s11+s12], $0x100, s13, s12, $0x38;
	[tilespmem:$0x1E100] =	vst v63  }
0x2d: {  	_ =	swait.ge [sflag:s8], $0x100  }
0x2e: {  	[sflag:s8] =	ssyncset.done $0x0  }
0x2f: {  	[sflag:s8] =	ssyncadd.s32 $0xFFFFFF00  }
0x30: {  	v3 =	vld [tilespmem:$0x0];
	_ =	sdelay $0x4  }
0x31: {  	v4 =	vshrl.u32 v3, $0x3  }
0x32: {  	v4 =	vmul.u32 $0x30, v4  }
0x33: {  	v3 =	vand.u32 $0x7, v3  }
0x34: {  	v3 =	vor.u32 v3, v4  }
0x35: {  	v4 =	vperm.xlane v3, v0;
	_ =	sdelay $0x1  }
0x36: {  	v4 =	vadd.s32 v1, v4;
	_ =	sdelay $0x3  }
0x37: {  	v3 =	vperm.xlane v3, v2  }
0x38: {  	[tilespmem:s21], [sflag:$0x1] =	stream.indirect_vreg.gather [hbm4b:s1+s3], $0x80, v4, vm0, $0xb8;
	[tilespmem:$0x1E100] =	vst v63  }
0x39: {  	s13 =	simm.s32 $0x900;
	v3 =	vadd.s32 v1, v3  }
0x3a: {  	[tilespmem:s13], [sflag:$0x1] =	stream.indirect_vreg.gather [hbm4b:s5+s3], $0x80, v4, vm0, $0xb8;
	[tilespmem:$0x1E100] =	vst v63  }
0x3b: {  	_ = 	snop  }
0x3c: {  	[tilespmem:s14], [sflag:$0x1] =	stream.indirect_vreg.gather [hbm4b:s6+s3], $0x80, v4, vm0, $0xb8;
	[tilespmem:$0x1E100] =	vst v63  }
0x3d: {  	_ = 	snop  }
0x3e: {  	[tilespmem:s15], [sflag:$0x1] =	stream.indirect_vreg.gather [hbm4b:s1+s3], $0x80, v3, vm0, $0xb8;
	[tilespmem:$0x1E100] =	vst v63  }
0x3f: {  	_ = 	snop  }
0x40: {  	[tilespmem:s16], [sflag:$0x1] =	stream.indirect_vreg.gather [hbm4b:s5+s3], $0x80, v3, vm0, $0xb8;
	[tilespmem:$0x1E100] =	vst v63  }
0x41: {  	_ = 	snop  }
0x42: {  	[tilespmem:s17], [sflag:$0x1] =	stream.indirect_vreg.gather [hbm4b:s6+s3], $0x80, v3, vm0, $0xb8;
	[tilespmem:$0x1E100] =	vst v63  }
0x43: {  	v3 =	vld [tilespmem:$0x10];
	_ =	sdelay $0x4  }
0x44: {  	v49 =	vshrl.u32 v3, $0x3  }
0x45: {  	v4 =	vmul.u32 $0x30, v49  }
0x46: {  	v3 =	vand.u32 $0x7, v3  }
0x47: {  	v3 =	vor.u32 v3, v4  }
0x48: {  	v4 =	vperm.xlane v3, v0;
	_ =	sdelay $0x1  }
0x49: {  	v4 =	vadd.s32 v1, v4;
	_ =	sdelay $0x3  }
0x4a: {  	v3 =	vperm.xlane v3, v2  }
0x4b: {  	[tilespmem:s18], [sflag:$0x1] =	stream.indirect_vreg.gather [hbm4b:s1+s3], $0x80, v4, vm0, $0xb8;
	[tilespmem:$0x1E100] =	vst v63  }
0x4c: {  	v3 =	vadd.s32 v1, v3  }
0x4d: {  	[tilespmem:s19], [sflag:$0x1] =	stream.indirect_vreg.gather [hbm4b:s5+s3], $0x80, v4, vm0, $0xb8;
	[tilespmem:$0x1E100] =	vst v63  }
0x4e: {  	_ = 	snop  }
0x4f: {  	[tilespmem:s20], [sflag:$0x1] =	stream.indirect_vreg.gather [hbm4b:s6+s3], $0x80, v4, vm0, $0xb8;
	[tilespmem:$0x1E100] =	vst v63  }
0x50: {  	_ = 	snop  }
0x51: {  	[tilespmem:s22], [sflag:$0x1] =	stream.indirect_vreg.gather [hbm4b:s1+s3], $0x80, v3, vm0, $0xb8;
	[tilespmem:$0x1E100] =	vst v63  }
0x52: {  	_ = 	snop  }
0x53: {  	[tilespmem:s23], [sflag:$0x1] =	stream.indirect_vreg.gather [hbm4b:s5+s3], $0x80, v3, vm0, $0xb8;
	[tilespmem:$0x1E100] =	vst v63  }
0x54: {  	_ = 	snop  }
0x55: {  	[tilespmem:s24], [sflag:$0x1] =	stream.indirect_vreg.gather [hbm4b:s6+s3], $0x80, v3, vm0, $0xb8;
	[tilespmem:$0x1E100] =	vst v63  }
0x56: {  	v3 =	vld [tilespmem:$0x20];
	_ =	sdelay $0x4  }
0x57: {  	v50 =	vshrl.u32 v3, $0x3  }
0x58: {  	v4 =	vmul.u32 $0x30, v50  }
0x59: {  	v3 =	vand.u32 $0x7, v3  }
0x5a: {  	v3 =	vor.u32 v3, v4  }
0x5b: {  	v4 =	vperm.xlane v3, v0;
	_ =	sdelay $0x1  }
0x5c: {  	v4 =	vadd.s32 v1, v4;
	_ =	sdelay $0x3  }
0x5d: {  	v3 =	vperm.xlane v3, v2  }
0x5e: {  	[tilespmem:s10], [sflag:$0x2] =	stream.indirect_vreg.gather [hbm4b:s1+s3], $0x80, v4, vm0, $0xb8;
	[tilespmem:$0x1E100] =	vst v63  }
0x5f: {  	s8 =	simm.s32 $0x6900;
	v3 =	vadd.s32 v1, v3  }
0x60: {  	[tilespmem:s8], [sflag:$0x2] =	stream.indirect_vreg.gather [hbm4b:s5+s3], $0x80, v4, vm0, $0xb8;
	[tilespmem:$0x1E100] =	vst v63  }
0x61: {  	_ = 	snop  }
0x62: {  	[tilespmem:s31], [sflag:$0x2] =	stream.indirect_vreg.gather [hbm4b:s6+s3], $0x80, v4, vm0, $0xb8;
	[tilespmem:$0x1E100] =	vst v63  }
0x63: {  	s0 =	simm.s32 $0x7900  }
0x64: {  	[tilespmem:s0], [sflag:$0x2] =	stream.indirect_vreg.gather [hbm4b:s1+s3], $0x80, v3, vm0, $0xb8;
	[tilespmem:$0x1E100] =	vst v63  }
0x65: {  	s11 =	simm.s32 $0x8100  }
0x66: {  	[tilespmem:s11], [sflag:$0x2] =	stream.indirect_vreg.gather [hbm4b:s5+s3], $0x80, v3, vm0, $0xb8;
	[tilespmem:$0x1E100] =	vst v63  }
0x67: {  	_ = 	snop  }
0x68: {  	[tilespmem:s9], [sflag:$0x2] =	stream.indirect_vreg.gather [hbm4b:s6+s3], $0x80, v3, vm0, $0xb8;
	[tilespmem:$0x1E100] =	vst v63  }
0x69: {  	v3 =	vld [tilespmem:$0x30];
	_ =	sdelay $0x4  }
0x6a: {  	v51 =	vshrl.u32 v3, $0x3  }
0x6b: {  	v4 =	vmul.u32 $0x30, v51  }
0x6c: {  	v3 =	vand.u32 $0x7, v3  }
0x6d: {  	v3 =	vor.u32 v3, v4  }
0x6e: {  	v4 =	vperm.xlane v3, v0;
	_ =	sdelay $0x1  }
0x6f: {  	v4 =	vadd.s32 v1, v4;
	_ =	sdelay $0x3  }
0x70: {  	s12 =	simm.s32 $0x9100;
	v3 =	vperm.xlane v3, v2  }
0x71: {  	[tilespmem:s12], [sflag:$0x2] =	stream.indirect_vreg.gather [hbm4b:s1+s3], $0x80, v4, vm0, $0xb8;
	[tilespmem:$0x1E100] =	vst v63  }
0x72: {  	s2 =	simm.s32 $0x9900;
	v3 =	vadd.s32 v1, v3  }
0x73: {  	[tilespmem:s2], [sflag:$0x2] =	stream.indirect_vreg.gather [hbm4b:s5+s3], $0x80, v4, vm0, $0xb8;
	[tilespmem:$0x1E100] =	vst v63  }
0x74: {  	s11 =	simm.s32 $0xA100  }
0x75: {  	[tilespmem:s11], [sflag:$0x2] =	stream.indirect_vreg.gather [hbm4b:s6+s3], $0x80, v4, vm0, $0xb8;
	[tilespmem:$0x1E100] =	vst v63  }
0x76: {  	s12 =	simm.s32 $0xA900  }
0x77: {  	[tilespmem:s12], [sflag:$0x2] =	stream.indirect_vreg.gather [hbm4b:s1+s3], $0x80, v3, vm0, $0xb8;
	[tilespmem:$0x1E100] =	vst v63  }
0x78: {  	s2 =	simm.s32 $0xB100  }
0x79: {  	[tilespmem:s2], [sflag:$0x2] =	stream.indirect_vreg.gather [hbm4b:s5+s3], $0x80, v3, vm0, $0xb8;
	[tilespmem:$0x1E100] =	vst v63  }
0x7a: {  	s11 =	simm.s32 $0xB900  }
0x7b: {  	[tilespmem:s11], [sflag:$0x2] =	stream.indirect_vreg.gather [hbm4b:s6+s3], $0x80, v3, vm0, $0xb8;
	[tilespmem:$0x1E100] =	vst v63  }
0x7c: {  	v3 =	vld [tilespmem:$0x40];
	_ =	sdelay $0x4  }
0x7d: {  	v52 =	vshrl.u32 v3, $0x3  }
0x7e: {  	v4 =	vmul.u32 $0x30, v52  }
0x7f: {  	v3 =	vand.u32 $0x7, v3  }
0x80: {  	v3 =	vor.u32 v3, v4  }
0x81: {  	v4 =	vperm.xlane v3, v0;
	_ =	sdelay $0x1  }
0x82: {  	v4 =	vadd.s32 v1, v4;
	_ =	sdelay $0x3  }
0x83: {  	s0 =	simm.s32 $0xC100;
	v3 =	vperm.xlane v3, v2  }
0x84: {  	[tilespmem:s0], [sflag:$0x3] =	stream.indirect_vreg.gather [hbm4b:s1+s3], $0x80, v4, vm0, $0xb8;
	[tilespmem:$0x1E100] =	vst v63  }
0x85: {  	s2 =	simm.s32 $0xC900;
	v3 =	vadd.s32 v1, v3  }
0x86: {  	[tilespmem:s2], [sflag:$0x3] =	stream.indirect_vreg.gather [hbm4b:s5+s3], $0x80, v4, vm0, $0xb8;
	[tilespmem:$0x1E100] =	vst v63  }
0x87: {  	s12 =	simm.s32 $0xD100  }
0x88: {  	[tilespmem:s12], [sflag:$0x3] =	stream.indirect_vreg.gather [hbm4b:s6+s3], $0x80, v4, vm0, $0xb8;
	[tilespmem:$0x1E100] =	vst v63  }
0x89: {  	s11 =	simm.s32 $0xD900  }
0x8a: {  	[tilespmem:s11], [sflag:$0x3] =	stream.indirect_vreg.gather [hbm4b:s1+s3], $0x80, v3, vm0, $0xb8;
	[tilespmem:$0x1E100] =	vst v63  }
0x8b: {  	s12 =	simm.s32 $0xE100  }
0x8c: {  	[tilespmem:s12], [sflag:$0x3] =	stream.indirect_vreg.gather [hbm4b:s5+s3], $0x80, v3, vm0, $0xb8;
	[tilespmem:$0x1E100] =	vst v63  }
0x8d: {  	s11 =	simm.s32 $0xE900  }
0x8e: {  	[tilespmem:s11], [sflag:$0x3] =	stream.indirect_vreg.gather [hbm4b:s6+s3], $0x80, v3, vm0, $0xb8;
	[tilespmem:$0x1E100] =	vst v63  }
0x8f: {  	v3 =	vld [tilespmem:$0x50];
	_ =	sdelay $0x4  }
0x90: {  	v53 =	vshrl.u32 v3, $0x3  }
0x91: {  	v4 =	vmul.u32 $0x30, v53  }
0x92: {  	v3 =	vand.u32 $0x7, v3  }
0x93: {  	v3 =	vor.u32 v3, v4  }
0x94: {  	v4 =	vperm.xlane v3, v0;
	_ =	sdelay $0x1  }
0x95: {  	v4 =	vadd.s32 v1, v4;
	_ =	sdelay $0x3  }
0x96: {  	s12 =	simm.s32 $0xF100;
	v3 =	vperm.xlane v3, v2  }
0x97: {  	[tilespmem:s12], [sflag:$0x3] =	stream.indirect_vreg.gather [hbm4b:s1+s3], $0x80, v4, vm0, $0xb8;
	[tilespmem:$0x1E100] =	vst v63  }
0x98: {  	s11 =	simm.s32 $0xF900;
	v3 =	vadd.s32 v1, v3  }
0x99: {  	[tilespmem:s11], [sflag:$0x3] =	stream.indirect_vreg.gather [hbm4b:s5+s3], $0x80, v4, vm0, $0xb8;
	[tilespmem:$0x1E100] =	vst v63  }
0x9a: {  	s12 =	simm.s32 $0x10100  }
0x9b: {  	[tilespmem:s12], [sflag:$0x3] =	stream.indirect_vreg.gather [hbm4b:s6+s3], $0x80, v4, vm0, $0xb8;
	[tilespmem:$0x1E100] =	vst v63  }
0x9c: {  	s11 =	simm.s32 $0x10900  }
0x9d: {  	[tilespmem:s11], [sflag:$0x3] =	stream.indirect_vreg.gather [hbm4b:s1+s3], $0x80, v3, vm0, $0xb8;
	[tilespmem:$0x1E100] =	vst v63  }
0x9e: {  	s12 =	simm.s32 $0x11100  }
0x9f: {  	[tilespmem:s12], [sflag:$0x3] =	stream.indirect_vreg.gather [hbm4b:s5+s3], $0x80, v3, vm0, $0xb8;
	[tilespmem:$0x1E100] =	vst v63  }
0xa0: {  	s11 =	simm.s32 $0x11900  }
0xa1: {  	[tilespmem:s11], [sflag:$0x3] =	stream.indirect_vreg.gather [hbm4b:s6+s3], $0x80, v3, vm0, $0xb8;
	[tilespmem:$0x1E100] =	vst v63  }
0xa2: {  	v3 =	vld [tilespmem:$0x60];
	_ =	sdelay $0x4  }
0xa3: {  	v54 =	vshrl.u32 v3, $0x3  }
0xa4: {  	v4 =	vmul.u32 $0x30, v54  }
0xa5: {  	v3 =	vand.u32 $0x7, v3  }
0xa6: {  	v3 =	vor.u32 v3, v4  }
0xa7: {  	v4 =	vperm.xlane v3, v0;
	_ =	sdelay $0x1  }
0xa8: {  	v4 =	vadd.s32 v1, v4;
	_ =	sdelay $0x3  }
0xa9: {  	s12 =	simm.s32 $0x12100;
	v3 =	vperm.xlane v3, v2  }
0xaa: {  	[tilespmem:s12], [sflag:$0x4] =	stream.indirect_vreg.gather [hbm4b:s1+s3], $0x80, v4, vm0, $0xb8;
	[tilespmem:$0x1E100] =	vst v63  }
0xab: {  	s11 =	rddreg [dreg:$0xe];
	v3 =	vadd.s32 v1, v3  }
0xac: {  	[tilespmem:s11], [sflag:$0x4] =	stream.indirect_vreg.gather [hbm4b:s5+s3], $0x80, v4, vm0, $0xb8;
	[tilespmem:$0x1E100] =	vst v63  }
0xad: {  	s12 =	rddreg [dreg:$0xf]  }
0xae: {  	[tilespmem:s12], [sflag:$0x4] =	stream.indirect_vreg.gather [hbm4b:s6+s3], $0x80, v4, vm0, $0xb8;
	[tilespmem:$0x1E100] =	vst v63  }
0xaf: {  	s2 =	rddreg [dreg:$0x10]  }
0xb0: {  	[tilespmem:s2], [sflag:$0x4] =	stream.indirect_vreg.gather [hbm4b:s1+s3], $0x80, v3, vm0, $0xb8;
	[tilespmem:$0x1E100] =	vst v63  }
0xb1: {  	s12 =	rddreg [dreg:$0x11]  }
0xb2: {  	[tilespmem:s12], [sflag:$0x4] =	stream.indirect_vreg.gather [hbm4b:s5+s3], $0x80, v3, vm0, $0xb8;
	[tilespmem:$0x1E100] =	vst v63  }
0xb3: {  	s2 =	rddreg [dreg:$0x12]  }
0xb4: {  	[tilespmem:s2], [sflag:$0x4] =	stream.indirect_vreg.gather [hbm4b:s6+s3], $0x80, v3, vm0, $0xb8;
	[tilespmem:$0x1E100] =	vst v63  }
0xb5: {  	v3 =	vld [tilespmem:$0x70];
	_ =	sdelay $0x4  }
0xb6: {  	v55 =	vshrl.u32 v3, $0x3  }
0xb7: {  	v4 =	vmul.u32 $0x30, v55  }
0xb8: {  	v3 =	vand.u32 $0x7, v3  }
0xb9: {  	v3 =	vor.u32 v3, v4  }
0xba: {  	v4 =	vperm.xlane v3, v0;
	_ =	sdelay $0x1  }
0xbb: {  	v4 =	vadd.s32 v1, v4;
	_ =	sdelay $0x3  }
0xbc: {  	s12 =	rddreg [dreg:$0x13];
	v3 =	vperm.xlane v3, v2  }
0xbd: {  	[tilespmem:s12], [sflag:$0x4] =	stream.indirect_vreg.gather [hbm4b:s1+s3], $0x80, v4, vm0, $0xb8;
	[tilespmem:$0x1E100] =	vst v63  }
0xbe: {  	s2 =	rddreg [dreg:$0x14];
	v3 =	vadd.s32 v1, v3  }
0xbf: {  	[tilespmem:s2], [sflag:$0x4] =	stream.indirect_vreg.gather [hbm4b:s5+s3], $0x80, v4, vm0, $0xb8;
	[tilespmem:$0x1E100] =	vst v63  }
0xc0: {  	s11 =	rddreg [dreg:$0x15]  }
0xc1: {  	[tilespmem:s11], [sflag:$0x4] =	stream.indirect_vreg.gather [hbm4b:s6+s3], $0x80, v4, vm0, $0xb8;
	[tilespmem:$0x1E100] =	vst v63  }
0xc2: {  	s2 =	rddreg [dreg:$0x16]  }
0xc3: {  	[tilespmem:s2], [sflag:$0x4] =	stream.indirect_vreg.gather [hbm4b:s1+s3], $0x80, v3, vm0, $0xb8;
	[tilespmem:$0x1E100] =	vst v63  }
0xc4: {  	s11 =	rddreg [dreg:$0x17]  }
0xc5: {  	[tilespmem:s11], [sflag:$0x4] =	stream.indirect_vreg.gather [hbm4b:s5+s3], $0x80, v3, vm0, $0xb8;
	[tilespmem:$0x1E100] =	vst v63  }
0xc6: {  	s2 =	rddreg [dreg:$0x18]  }
0xc7: {  	[tilespmem:s2], [sflag:$0x4] =	stream.indirect_vreg.gather [hbm4b:s6+s3], $0x80, v3, vm0, $0xb8;
	[tilespmem:$0x1E100] =	vst v63  }
0xc8: {  	v3 =	vld [tilespmem:$0x80];
	_ =	sdelay $0x4  }
0xc9: {  	v56 =	vshrl.u32 v3, $0x3  }
0xca: {  	v4 =	vmul.u32 $0x30, v56  }
0xcb: {  	v3 =	vand.u32 $0x7, v3  }
0xcc: {  	v3 =	vor.u32 v3, v4  }
0xcd: {  	v4 =	vperm.xlane v3, v0;
	_ =	sdelay $0x1  }
0xce: {  	v4 =	vadd.s32 v1, v4;
	_ =	sdelay $0x3  }
0xcf: {  	s2 =	simm.s32 $0x18100;
	v3 =	vperm.xlane v3, v2  }
0xd0: {  	[tilespmem:s2], [sflag:$0x5] =	stream.indirect_vreg.gather [hbm4b:s1+s3], $0x80, v4, vm0, $0xb8;
	[tilespmem:$0x1E100] =	vst v63  }
0xd1: {  	s11 =	rddreg [dreg:$0x19];
	v3 =	vadd.s32 v1, v3  }
0xd2: {  	[tilespmem:s11], [sflag:$0x5] =	stream.indirect_vreg.gather [hbm4b:s5+s3], $0x80, v4, vm0, $0xb8;
	[tilespmem:$0x1E100] =	vst v63  }
0xd3: {  	s12 =	rddreg [dreg:$0x1a]  }
0xd4: {  	[tilespmem:s12], [sflag:$0x5] =	stream.indirect_vreg.gather [hbm4b:s6+s3], $0x80, v4, vm0, $0xb8;
	[tilespmem:$0x1E100] =	vst v63  }
0xd5: {  	s11 =	rddreg [dreg:$0x1b]  }
0xd6: {  	[tilespmem:s11], [sflag:$0x5] =	stream.indirect_vreg.gather [hbm4b:s1+s3], $0x80, v3, vm0, $0xb8;
	[tilespmem:$0x1E100] =	vst v63  }
0xd7: {  	s12 =	rddreg [dreg:$0x1c]  }
0xd8: {  	[tilespmem:s12], [sflag:$0x5] =	stream.indirect_vreg.gather [hbm4b:s5+s3], $0x80, v3, vm0, $0xb8;
	[tilespmem:$0x1E100] =	vst v63  }
0xd9: {  	s11 =	rddreg [dreg:$0x1d]  }
0xda: {  	[tilespmem:s11], [sflag:$0x5] =	stream.indirect_vreg.gather [hbm4b:s6+s3], $0x80, v3, vm0, $0xb8;
	[tilespmem:$0x1E100] =	vst v63  }
0xdb: {  	v3 =	vld [tilespmem:$0x90];
	_ =	sdelay $0x4  }
0xdc: {  	v57 =	vshrl.u32 v3, $0x3  }
0xdd: {  	v4 =	vmul.u32 $0x30, v57  }
0xde: {  	v3 =	vand.u32 $0x7, v3  }
0xdf: {  	v3 =	vor.u32 v3, v4  }
0xe0: {  	v4 =	vperm.xlane v3, v0;
	_ =	sdelay $0x1  }
0xe1: {  	v4 =	vadd.s32 v1, v4;
	_ =	sdelay $0x2  }
0xe2: {  	s12 =	rddreg [dreg:$0x1f]  }
0xe3: {  	s11 =	rddreg [dreg:$0x1e];
	v3 =	vperm.xlane v3, v2  }
0xe4: {  	[tilespmem:s11], [sflag:$0x5] =	stream.indirect_vreg.gather [hbm4b:s1+s3], $0x80, v4, vm0, $0xb8;
	[tilespmem:$0x1E100] =	vst v63  }
0xe5: {  	v3 =	vadd.s32 v1, v3;
	s11 =	sld [smem:$0x7FA]  }
0xe6: {  	[tilespmem:s12], [sflag:$0x5] =	stream.indirect_vreg.gather [hbm4b:s5+s3], $0x80, v4, vm0, $0xb8;
	[tilespmem:$0x1E100] =	vst v63  }
0xe7: {  	s12 =	sld [smem:$0x7FB]  }
0xe8: {  	[tilespmem:s11], [sflag:$0x5] =	stream.indirect_vreg.gather [hbm4b:s6+s3], $0x80, v4, vm0, $0xb8;
	[tilespmem:$0x1E100] =	vst v63  }
0xe9: {  	s11 =	sld [smem:$0x7FC]  }
0xea: {  	[tilespmem:s12], [sflag:$0x5] =	stream.indirect_vreg.gather [hbm4b:s1+s3], $0x80, v3, vm0, $0xb8;
	[tilespmem:$0x1E100] =	vst v63  }
0xeb: {  	s12 =	sld [smem:$0x7FD]  }
0xec: {  	[tilespmem:s11], [sflag:$0x5] =	stream.indirect_vreg.gather [hbm4b:s5+s3], $0x80, v3, vm0, $0xb8;
	[tilespmem:$0x1E100] =	vst v63  }
0xed: {  	_ = 	snop  }
0xee: {  	[tilespmem:s12], [sflag:$0x5] =	stream.indirect_vreg.gather [hbm4b:s6+s3], $0x80, v3, vm0, $0xb8;
	[tilespmem:$0x1E100] =	vst v63  }
0xef: {  	_ =	swait.ge [sflag:s25], $0x6000  }
0xf0: {  	s12 =	sld [smem:$0x7F9]  }
0xf1: {  	[sflag:s25] =	ssyncset.done $0x0  }
0xf2: {  	[sflag:s25] =	ssyncadd.s32 $0xFFFFA000  }
0xf3: {  	[hbm4b:s12+s3] =	stream.linear.scatter [tilespmem:s21], [sflag:$0x6], $0x6000, $0x38;
	[tilespmem:$0x1E100] =	vst v63  }
0xf4: {  	_ =	swait.ge [sflag:s26], $0x6000  }
0xf5: {  	[sflag:s26] =	ssyncset.done $0x0  }
0xf6: {  	[sflag:s26] =	ssyncadd.s32 $0xFFFFA000  }
0xf7: {  	v3 =	vld [tilespmem:$0xA0];
	_ =	sdelay $0x4  }
0xf8: {  	v58 =	vshrl.u32 v3, $0x3  }
0xf9: {  	v4 =	vmul.u32 $0x30, v58  }
0xfa: {  	v3 =	vand.u32 $0x7, v3  }
0xfb: {  	v3 =	vor.u32 v3, v4  }
0xfc: {  	v4 =	vperm.xlane v3, v0;
	_ =	sdelay $0x1  }
0xfd: {  	v4 =	vadd.s32 v1, v4;
	_ =	sdelay $0x3  }
0xfe: {  	v3 =	vperm.xlane v3, v2  }
0xff: {  	[tilespmem:s21], [sflag:$0x1] =	stream.indirect_vreg.gather [hbm4b:s1+s3], $0x80, v4, vm0, $0xb8;
	[tilespmem:$0x1E100] =	vst v63  }
0x100: {  	v3 =	vadd.s32 v1, v3  }
0x101: {  	[tilespmem:s13], [sflag:$0x1] =	stream.indirect_vreg.gather [hbm4b:s5+s3], $0x80, v4, vm0, $0xb8;
	[tilespmem:$0x1E100] =	vst v63  }
0x102: {  	_ = 	snop  }
0x103: {  	[tilespmem:s14], [sflag:$0x1] =	stream.indirect_vreg.gather [hbm4b:s6+s3], $0x80, v4, vm0, $0xb8;
	[tilespmem:$0x1E100] =	vst v63  }
0x104: {  	_ = 	snop  }
0x105: {  	[tilespmem:s15], [sflag:$0x1] =	stream.indirect_vreg.gather [hbm4b:s1+s3], $0x80, v3, vm0, $0xb8;
	[tilespmem:$0x1E100] =	vst v63  }
0x106: {  	_ = 	snop  }
0x107: {  	[tilespmem:s16], [sflag:$0x1] =	stream.indirect_vreg.gather [hbm4b:s5+s3], $0x80, v3, vm0, $0xb8;
	[tilespmem:$0x1E100] =	vst v63  }
0x108: {  	_ = 	snop  }
0x109: {  	[tilespmem:s17], [sflag:$0x1] =	stream.indirect_vreg.gather [hbm4b:s6+s3], $0x80, v3, vm0, $0xb8;
	[tilespmem:$0x1E100] =	vst v63  }
0x10a: {  	v3 =	vld [tilespmem:$0xB0];
	_ =	sdelay $0x4  }
0x10b: {  	v59 =	vshrl.u32 v3, $0x3  }
0x10c: {  	v4 =	vmul.u32 $0x30, v59  }
0x10d: {  	v3 =	vand.u32 $0x7, v3  }
0x10e: {  	v3 =	vor.u32 v3, v4  }
0x10f: {  	v4 =	vperm.xlane v3, v0;
	_ =	sdelay $0x1  }
0x110: {  	v4 =	vadd.s32 v1, v4;
	_ =	sdelay $0x3  }
0x111: {  	v3 =	vperm.xlane v3, v2  }
0x112: {  	[tilespmem:s18], [sflag:$0x1] =	stream.indirect_vreg.gather [hbm4b:s1+s3], $0x80, v4, vm0, $0xb8;
	[tilespmem:$0x1E100] =	vst v63  }
0x113: {  	v3 =	vadd.s32 v1, v3  }
0x114: {  	[tilespmem:s19], [sflag:$0x1] =	stream.indirect_vreg.gather [hbm4b:s5+s3], $0x80, v4, vm0, $0xb8;
	[tilespmem:$0x1E100] =	vst v63  }
0x115: {  	_ = 	snop  }
0x116: {  	[tilespmem:s20], [sflag:$0x1] =	stream.indirect_vreg.gather [hbm4b:s6+s3], $0x80, v4, vm0, $0xb8;
	[tilespmem:$0x1E100] =	vst v63  }
0x117: {  	_ = 	snop  }
0x118: {  	[tilespmem:s22], [sflag:$0x1] =	stream.indirect_vreg.gather [hbm4b:s1+s3], $0x80, v3, vm0, $0xb8;
	[tilespmem:$0x1E100] =	vst v63  }
0x119: {  	_ = 	snop  }
0x11a: {  	[tilespmem:s23], [sflag:$0x1] =	stream.indirect_vreg.gather [hbm4b:s5+s3], $0x80, v3, vm0, $0xb8;
	[tilespmem:$0x1E100] =	vst v63  }
0x11b: {  	_ = 	snop  }
0x11c: {  	[tilespmem:s24], [sflag:$0x1] =	stream.indirect_vreg.gather [hbm4b:s6+s3], $0x80, v3, vm0, $0xb8;
	[tilespmem:$0x1E100] =	vst v63  }
0x11d: {  	_ =	swait.ge [sflag:s28], $0x6000  }
0x11e: {  	[sflag:s28] =	ssyncset.done $0x0  }
0x11f: {  	s13 =	rddreg [dreg:$0x5];
	[sflag:s28] =	ssyncadd.s32 $0xFFFFA000  }
0x120: {  	[hbm4b:s13+s3] =	stream.linear.scatter [tilespmem:s10], [sflag:$0x7], $0x6000, $0x38;
	[tilespmem:$0x1E100] =	vst v63  }
0x121: {  	_ =	swait.ge [sflag:s29], $0x6000  }
0x122: {  	[sflag:s29] =	ssyncset.done $0x0  }
0x123: {  	[sflag:s29] =	ssyncadd.s32 $0xFFFFA000  }
0x124: {  	v3 =	vld [tilespmem:$0xC0];
	_ =	sdelay $0x4  }
0x125: {  	v60 =	vshrl.u32 v3, $0x3  }
0x126: {  	v4 =	vmul.u32 $0x30, v60  }
0x127: {  	v3 =	vand.u32 $0x7, v3  }
0x128: {  	v3 =	vor.u32 v3, v4  }
0x129: {  	v4 =	vperm.xlane v3, v0;
	_ =	sdelay $0x1  }
0x12a: {  	v4 =	vadd.s32 v1, v4;
	_ =	sdelay $0x3  }
0x12b: {  	v3 =	vperm.xlane v3, v2  }
0x12c: {  	[tilespmem:s10], [sflag:$0x2] =	stream.indirect_vreg.gather [hbm4b:s1+s3], $0x80, v4, vm0, $0xb8;
	[tilespmem:$0x1E100] =	vst v63  }
0x12d: {  	v3 =	vadd.s32 v1, v3  }
0x12e: {  	[tilespmem:s8], [sflag:$0x2] =	stream.indirect_vreg.gather [hbm4b:s5+s3], $0x80, v4, vm0, $0xb8;
	[tilespmem:$0x1E100] =	vst v63  }
0x12f: {  	_ = 	snop  }
0x130: {  	[tilespmem:s31], [sflag:$0x2] =	stream.indirect_vreg.gather [hbm4b:s6+s3], $0x80, v4, vm0, $0xb8;
	[tilespmem:$0x1E100] =	vst v63  }
0x131: {  	s12 =	simm.s32 $0x7900  }
0x132: {  	[tilespmem:s12], [sflag:$0x2] =	stream.indirect_vreg.gather [hbm4b:s1+s3], $0x80, v3, vm0, $0xb8;
	[tilespmem:$0x1E100] =	vst v63  }
0x133: {  	s13 =	simm.s32 $0x8100  }
0x134: {  	[tilespmem:s13], [sflag:$0x2] =	stream.indirect_vreg.gather [hbm4b:s5+s3], $0x80, v3, vm0, $0xb8;
	[tilespmem:$0x1E100] =	vst v63  }
0x135: {  	_ = 	snop  }
0x136: {  	[tilespmem:s9], [sflag:$0x2] =	stream.indirect_vreg.gather [hbm4b:s6+s3], $0x80, v3, vm0, $0xb8;
	[tilespmem:$0x1E100] =	vst v63  }
0x137: {  	v3 =	vld [tilespmem:$0xD0];
	_ =	sdelay $0x4  }
0x138: {  	v61 =	vshrl.u32 v3, $0x3  }
0x139: {  	v4 =	vmul.u32 $0x30, v61  }
0x13a: {  	v3 =	vand.u32 $0x7, v3  }
0x13b: {  	v3 =	vor.u32 v3, v4  }
0x13c: {  	v4 =	vperm.xlane v3, v0;
	_ =	sdelay $0x1  }
0x13d: {  	v4 =	vadd.s32 v1, v4;
	_ =	sdelay $0x3  }
0x13e: {  	s11 =	simm.s32 $0x9100;
	v3 =	vperm.xlane v3, v2  }
0x13f: {  	[tilespmem:s11], [sflag:$0x2] =	stream.indirect_vreg.gather [hbm4b:s1+s3], $0x80, v4, vm0, $0xb8;
	[tilespmem:$0x1E100] =	vst v63  }
0x140: {  	s12 =	simm.s32 $0x9900;
	v3 =	vadd.s32 v1, v3  }
0x141: {  	[tilespmem:s12], [sflag:$0x2] =	stream.indirect_vreg.gather [hbm4b:s5+s3], $0x80, v4, vm0, $0xb8;
	[tilespmem:$0x1E100] =	vst v63  }
0x142: {  	s13 =	simm.s32 $0xA100  }
0x143: {  	[tilespmem:s13], [sflag:$0x2] =	stream.indirect_vreg.gather [hbm4b:s6+s3], $0x80, v4, vm0, $0xb8;
	[tilespmem:$0x1E100] =	vst v63  }
0x144: {  	s11 =	simm.s32 $0xA900  }
0x145: {  	[tilespmem:s11], [sflag:$0x2] =	stream.indirect_vreg.gather [hbm4b:s1+s3], $0x80, v3, vm0, $0xb8;
	[tilespmem:$0x1E100] =	vst v63  }
0x146: {  	s12 =	simm.s32 $0xB100  }
0x147: {  	[tilespmem:s12], [sflag:$0x2] =	stream.indirect_vreg.gather [hbm4b:s5+s3], $0x80, v3, vm0, $0xb8;
	[tilespmem:$0x1E100] =	vst v63  }
0x148: {  	s13 =	simm.s32 $0xB900  }
0x149: {  	[tilespmem:s13], [sflag:$0x2] =	stream.indirect_vreg.gather [hbm4b:s6+s3], $0x80, v3, vm0, $0xb8;
	[tilespmem:$0x1E100] =	vst v63  }
0x14a: {  	_ =	swait.ge [sflag:s4], $0x6000  }
0x14b: {  	[sflag:s4] =	ssyncset.done $0x0  }
0x14c: {  	s8 =	rddreg [dreg:$0x6];
	[sflag:s4] =	ssyncadd.s32 $0xFFFFA000  }
0x14d: {  	[hbm4b:s8+s3] =	stream.linear.scatter [tilespmem:s0], [sflag:$0x8], $0x6000, $0x38;
	[tilespmem:$0x1E100] =	vst v63  }
0x14e: {  	_ =	swait.ge [sflag:s30], $0x6000  }
0x14f: {  	[sflag:s30] =	ssyncset.done $0x0  }
0x150: {  	[sflag:s30] =	ssyncadd.s32 $0xFFFFA000  }
0x151: {  	v3 =	vld [tilespmem:$0xE0];
	_ =	sdelay $0x4  }
0x152: {  	v62 =	vshrl.u32 v3, $0x3  }
0x153: {  	v4 =	vmul.u32 $0x30, v62  }
0x154: {  	v3 =	vand.u32 $0x7, v3  }
0x155: {  	v3 =	vor.u32 v3, v4  }
0x156: {  	v4 =	vperm.xlane v3, v0;
	_ =	sdelay $0x1  }
0x157: {  	v4 =	vadd.s32 v1, v4;
	_ =	sdelay $0x3  }
0x158: {  	v3 =	vperm.xlane v3, v2  }
0x159: {  	[tilespmem:s0], [sflag:$0x3] =	stream.indirect_vreg.gather [hbm4b:s1+s3], $0x80, v4, vm0, $0xb8;
	[tilespmem:$0x1E100] =	vst v63  }
0x15a: {  	s12 =	simm.s32 $0xC900;
	v3 =	vadd.s32 v1, v3  }
0x15b: {  	[tilespmem:s12], [sflag:$0x3] =	stream.indirect_vreg.gather [hbm4b:s5+s3], $0x80, v4, vm0, $0xb8;
	[tilespmem:$0x1E100] =	vst v63  }
0x15c: {  	s13 =	simm.s32 $0xD100  }
0x15d: {  	[tilespmem:s13], [sflag:$0x3] =	stream.indirect_vreg.gather [hbm4b:s6+s3], $0x80, v4, vm0, $0xb8;
	[tilespmem:$0x1E100] =	vst v63  }
0x15e: {  	s11 =	simm.s32 $0xD900  }
0x15f: {  	[tilespmem:s11], [sflag:$0x3] =	stream.indirect_vreg.gather [hbm4b:s1+s3], $0x80, v3, vm0, $0xb8;
	[tilespmem:$0x1E100] =	vst v63  }
0x160: {  	s12 =	simm.s32 $0xE100  }
0x161: {  	[tilespmem:s12], [sflag:$0x3] =	stream.indirect_vreg.gather [hbm4b:s5+s3], $0x80, v3, vm0, $0xb8;
	[tilespmem:$0x1E100] =	vst v63  }
0x162: {  	s13 =	simm.s32 $0xE900  }
0x163: {  	[tilespmem:s13], [sflag:$0x3] =	stream.indirect_vreg.gather [hbm4b:s6+s3], $0x80, v3, vm0, $0xb8;
	[tilespmem:$0x1E100] =	vst v63  }
0x164: {  	v3 =	vld [tilespmem:$0xF0];
	_ =	sdelay $0x4  }
0x165: {  	v63 =	vshrl.u32 v3, $0x3  }
0x166: {  	v4 =	vmul.u32 $0x30, v63  }
0x167: {  	v3 =	vand.u32 $0x7, v3  }
0x168: {  	v3 =	vor.u32 v3, v4  }
0x169: {  	v4 =	vperm.xlane v3, v0;
	_ =	sdelay $0x1  }
0x16a: {  	v4 =	vadd.s32 v1, v4;
	_ =	sdelay $0x3  }
0x16b: {  	s11 =	simm.s32 $0xF100;
	v3 =	vperm.xlane v3, v2  }
0x16c: {  	[tilespmem:s11], [sflag:$0x3] =	stream.indirect_vreg.gather [hbm4b:s1+s3], $0x80, v4, vm0, $0xb8;
	[tilespmem:$0x1E100] =	vst v63  }
0x16d: {  	s12 =	simm.s32 $0xF900;
	v3 =	vadd.s32 v1, v3  }
0x16e: {  	[tilespmem:s12], [sflag:$0x3] =	stream.indirect_vreg.gather [hbm4b:s5+s3], $0x80, v4, vm0, $0xb8;
	[tilespmem:$0x1E100] =	vst v63  }
0x16f: {  	s13 =	simm.s32 $0x10100  }
0x170: {  	[tilespmem:s13], [sflag:$0x3] =	stream.indirect_vreg.gather [hbm4b:s6+s3], $0x80, v4, vm0, $0xb8;
	[tilespmem:$0x1E100] =	vst v63  }
0x171: {  	s11 =	simm.s32 $0x10900  }
0x172: {  	[tilespmem:s11], [sflag:$0x3] =	stream.indirect_vreg.gather [hbm4b:s1+s3], $0x80, v3, vm0, $0xb8;
	[tilespmem:$0x1E100] =	vst v63  }
0x173: {  	s12 =	simm.s32 $0x11100  }
0x174: {  	[tilespmem:s12], [sflag:$0x3] =	stream.indirect_vreg.gather [hbm4b:s5+s3], $0x80, v3, vm0, $0xb8;
	[tilespmem:$0x1E100] =	vst v63  }
0x175: {  	s13 =	simm.s32 $0x11900;
	s11 =	simm.s32 $0x4  }
0x176: {  	[tilespmem:s13], [sflag:$0x3] =	stream.indirect_vreg.gather [hbm4b:s6+s3], $0x80, v3, vm0, $0xb8;
	[tilespmem:$0x1E100] =	vst v63  }
0x177: {  	_ =	swait.ge [sflag:s11], $0x6000  }
0x178: {  	[sflag:s11] =	ssyncset.done $0x0  }
0x179: {  	s13 =	simm.s32 $0x12100;
	s12 =	rddreg [dreg:$0x7];
	[sflag:s11] =	ssyncadd.s32 $0xFFFFA000  }
0x17a: {  	[hbm4b:s12+s3] =	stream.linear.scatter [tilespmem:s13], [sflag:$0x9], $0x6000, $0x38;
	[tilespmem:$0x1E100] =	vst v63  }
0x17b: {  	s12 =	simm.s32 $0x5  }
0x17c: {  	_ =	swait.ge [sflag:s12], $0x6000  }
0x17d: {  	[sflag:s12] =	ssyncset.done $0x0  }
0x17e: {  	s13 =	rddreg [dreg:$0x8];
	[sflag:s12] =	ssyncadd.s32 $0xFFFFA000  }
0x17f: {  	[hbm4b:s13+s3] =	stream.linear.scatter [tilespmem:s2], [sflag:$0xA], $0x6000, $0x38;
	[tilespmem:$0x1E100] =	vst v63  }
0x180: {  	_ =	swait.ge [sflag:s25], $0x6000  }
0x181: {  	[sflag:s25] =	ssyncset.done $0x0  }
0x182: {  	s2 =	rddreg [dreg:$0x9];
	[sflag:s25] =	ssyncadd.s32 $0xFFFFA000  }
0x183: {  	[hbm4b:s2+s3] =	stream.linear.scatter [tilespmem:s21], [sflag:$0x6], $0x6000, $0x38;
	[tilespmem:$0x1E100] =	vst v63  }
0x184: {  	_ =	swait.ge [sflag:s28], $0x6000  }
0x185: {  	[sflag:s28] =	ssyncset.done $0x0  }
0x186: {  	s8 =	rddreg [dreg:$0xa];
	[sflag:s28] =	ssyncadd.s32 $0xFFFFA000  }
0x187: {  	[hbm4b:s8+s3] =	stream.linear.scatter [tilespmem:s10], [sflag:$0x7], $0x6000, $0x38;
	[tilespmem:$0x1E100] =	vst v63  }
0x188: {  	_ =	swait.ge [sflag:s4], $0x6000  }
0x189: {  	[sflag:s4] =	ssyncset.done $0x0  }
0x18a: {  	s13 =	simm.s32 $0xA;
	s12 =	rddreg [dreg:$0xb];
	[sflag:s4] =	ssyncadd.s32 $0xFFFFA000  }
0x18b: {  	[hbm4b:s12+s3] =	stream.linear.scatter [tilespmem:s0], [sflag:$0x8], $0x6000, $0x38;
	[tilespmem:$0x1E100] =	vst v63  }
0x18c: {  	_ =	swait.ge [sflag:s13], $0x6000  }
0x18d: {  	[sflag:s13] =	ssyncset.done $0x0  }
0x18e: {  	[sflag:s13] =	ssyncadd.s32 $0xFFFFA000  }
0x18f: {  	_ =	swait.ge [sflag:s26], $0x6000  }
0x190: {  	[sflag:s26] =	ssyncset.done $0x0  }
0x191: {  	[sflag:s26] =	ssyncadd.s32 $0xFFFFA000  }
0x192: {  	p0 =	sne.s32 s7, $0x1;
	_ =	swait.ge [sflag:s29], $0x6000  }
.Ltmp0:
0x193: {  	[sflag:s29] =	ssyncset.done $0x0;
	(pc) =	sbr.rel @p0 .LBB2_1-.Ltmp0, $4  }
0x194: {  	[sflag:s29] =	ssyncadd.s32 $0xFFFFA000  }
0x195: {  	_ =	swait.ge [sflag:s30], $0x6000  }
0x196: {  	[sflag:s30] =	ssyncset.done $0x0  }
0x197: {  	s7 =	sadd.s32 $0xFFFFFFFF, s7;
	[sflag:s30] =	ssyncadd.s32 $0xFFFFA000  }
0x198: {  	_ =	sfence.sel $0x180000  }
0x199: {  	[bflag:$0x0] =	sbarrier.arrive $0xFFFF  }
0x19a: {  	_ =	strace $0x90000047  }
0x19b: {  	s0 =	stileid.u32;
	[bflag:$0x2] =	sbarrier.arrive $0xFFFF  }
0x19c: {  	p0 =	sne.s32 s0, $0x0;
	s0 =	rddreg [dreg:$0x3]  }
0x19d: {  	s0 =	sadd.s32 @!p0 $0x100000, s0  }
0x19e: {  	[sflag:s0] =	ssyncadd.tile.s32 @!p0 $0x1;
	_ =	shalt  }
.Lfunc_end2:
_tile_overlayer_lowered:
.L_overlay_start_2:
0x19f: {  	(tag) =	ssettag $0x2  }
0x1a0: {  	s0 =	rddreg [dreg:$0x0];
	s2 =	stileid.u32  }
0x1a1: {  	s1 =	rddreg [dreg:$0x1];
	p0 =	sne.s32 s2, $0x0  }
0x1a2: {  	s3 =	rddreg [dreg:$0x2];
	[bflag:$0x3] =	sbarrier.arrive $0xFFFF;
	s2 =	simm.s32 @!p0 $0x1C0B  }
0x1a3: {  	[timem:s3], [sflag:s2] =	dma.local @!p0 [hbm:s0], s1  }
0x1a4: {  	s0 =	simm.s32 @!p0 $0xB  }
0x1a5: {  	_ =	swait.ge @!p0 [sflag:s0], s1  }
0x1a6: {  	s1 =	ssub.s32 @!p0 $0x0, s1;
	[sflag:s0] =	ssyncset.done @!p0 $0x0  }
0x1a7: {  	[sflag:s0] =	ssyncadd.s32 @!p0 s1  }
0x1a8: {  	[bflag:$0x3] =	sbarrier.arrive $0xFFFF  }
0x1a9: {  	_ =	shalt  }

</sc_bundles>
